<compile_context>
chip_gen: v7x
topology: tpu7x:2x2x1
jax: 0.10.2.dev20260603
libtpu: 0.0.44.dev20260713+nightly
codegen_flags: <defaults>
</compile_context>

<pallas_src>
import functools

import jax
import jax.numpy as jnp
import numpy as np
from jax import lax
from jax.experimental import pallas as pl
from jax.experimental.pallas import tpu as pltpu
from jax.experimental.pallas import tpu_sc as plsc

D_MODEL = 1024
_HALF = D_MODEL // 2
SEQ_LEN = 2048
NUM_BLOCKS = 4
ZERO_OFFSET = 2 * SEQ_LEN
TBL_BASE = 2048
_LOGK = float(-np.log(10000.0) / _HALF)

NC, NS = 2, 16
NW = NC * NS
CHUNK = 48

HT_ROWS = 2112
_HT_BLK = 704
_SL_BLK = 512



def _pool_pos(pos, block_index):
    cls_pos = np.array([-(2 ** block_index) + 1], dtype=np.int64)
    return np.concatenate([cls_pos, pos[1:-1][::2]], axis=0)


def _rel_pos(pos, stride, pooled_pos=None, shift=1):
    if pooled_pos is None:
        pooled_pos = pos
    ref_point = int(pooled_pos[0]) - int(pos[0])
    num_remove = shift * len(pooled_pos)
    max_dist = ref_point + num_remove * stride
    min_dist = int(pooled_pos[0]) - int(pos[-1])
    return np.arange(max_dist, min_dist - 1, -stride, dtype=np.int64)


def _index_lists():
    pos = np.arange(0, SEQ_LEN, dtype=np.int64)
    pooled_pos = pos
    per_block = []
    for block_index in range(NUM_BLOCKS):
        pool_idx = None
        if block_index > 0:
            pooled_pos = _pool_pos(pos, block_index)
            stride = 2 ** (block_index - 1)
            pool_idx = _rel_pos(pos, stride, pooled_pos, shift=2) + ZERO_OFFSET
        pos = pooled_pos
        stride = 2 ** block_index
        np_idx = _rel_pos(pos, stride) + ZERO_OFFSET
        per_block.append((np_idx, pool_idx))
    flat = []
    for np_idx, pool_idx in per_block:
        flat.append(np_idx)
        if pool_idx is not None:
            flat.append(pool_idx)
    return [np.asarray(ix - TBL_BASE, dtype=np.int32) for ix in flat]


_IDX7 = _index_lists()
_SC_ORDER = (3, 5, 6)
for _o in _SC_ORDER:
    assert (_IDX7[_o] % 2 == 0).all()
_IDX_SC = [(_IDX7[_o] // 2).astype(np.int32) for _o in _SC_ORDER]
_SIZES = [len(ix) for ix in _IDX_SC]
_ROWS_W = [s // NW for s in _SIZES]
_OFF_W = [int(x) for x in np.cumsum([0] + _ROWS_W)]
_IDX_VMEM = int(np.ceil(_OFF_W[-1] / 16) * 16)
_OFF_G = [int(x) for x in np.cumsum([0] + _SIZES)]
_IDX_ALL = np.concatenate(_IDX_SC)




def _table_body(out_ref, b_ref):
    pid = pl.program_id(0)

    @pl.when(pid == 0)
    def _():
        i = lax.broadcasted_iota(jnp.int32, (64, _HALF), 0).astype(jnp.float32)
        j = lax.broadcasted_iota(jnp.int32, (64, _HALF), 1).astype(jnp.float32)
        x = (2.0 * i) * jnp.exp(j * jnp.float32(_LOGK))
        b_ref[:, :_HALF] = jnp.sin(x)
        b_ref[:, _HALF:] = jnp.cos(x)

    sin_b = b_ref[:, :_HALF]
    cos_b = b_ref[:, _HALF:]
    k16 = lax.broadcasted_iota(jnp.int32, (16, _HALF), 0).astype(jnp.float32)
    j16 = lax.broadcasted_iota(jnp.int32, (16, _HALF), 1).astype(jnp.float32)
    inv = jnp.exp(j16 * jnp.float32(_LOGK))
    xa = (jnp.float32(2 * pid * _HT_BLK - 2048) + 128.0 * k16) * inv
    sin_a16, cos_a16 = jnp.sin(xa), jnp.cos(xa)
    for k in range(_HT_BLK // 64):
        sin_a = sin_a16[k:k + 1, :]
        cos_a = cos_a16[k:k + 1, :]
        out_ref[64 * k:64 * k + 64, :_HALF] = sin_a * cos_b + cos_a * sin_b
        out_ref[64 * k:64 * k + 64, _HALF:] = cos_a * cos_b - sin_a * sin_b


def _build_table():
    return pl.pallas_call(
        _table_body,
        grid=(HT_ROWS // _HT_BLK,),
        out_specs=pl.BlockSpec((_HT_BLK, D_MODEL), lambda i: (i, 0)),
        out_shape=jax.ShapeDtypeStruct((HT_ROWS, D_MODEL), jnp.float32),
        scratch_shapes=[pltpu.VMEM((64, D_MODEL), jnp.float32)],
    )()



def _slice_body(np0_ref, pool1_ref, b_ref):
    pid = pl.program_id(0)

    @pl.when(pid == 0)
    def _():
        i = lax.broadcasted_iota(jnp.int32, (64, _HALF), 0).astype(jnp.float32)
        j = lax.broadcasted_iota(jnp.int32, (64, _HALF), 1).astype(jnp.float32)
        x = i * jnp.exp(j * jnp.float32(_LOGK))
        b_ref[:, :_HALF] = jnp.sin(x)
        b_ref[:, _HALF:] = jnp.cos(x)

    sin_b = b_ref[:, :_HALF]
    cos_b = b_ref[:, _HALF:]
    r16 = lax.broadcasted_iota(jnp.int32, (16, _HALF), 0)
    j16 = lax.broadcasted_iota(jnp.int32, (16, _HALF), 1).astype(jnp.float32)
    inv = jnp.exp(j16 * jnp.float32(_LOGK))
    k16 = (r16 % 8).astype(jnp.float32)
    c16 = jnp.where(r16 < 8, 4096.0, 4095.0)
    xa = (c16 - jnp.float32(pid * _SL_BLK + TBL_BASE) - 64.0 * k16) * inv
    sin_a16, cos_a16 = jnp.sin(xa), jnp.cos(xa)
    for k in range(_SL_BLK // 64):
        for out_ref, row in ((np0_ref, k), (pool1_ref, k + 8)):
            sin_a = sin_a16[row:row + 1, :]
            cos_a = cos_a16[row:row + 1, :]
            out_ref[64 * k:64 * k + 64, :_HALF] = sin_a * cos_b - cos_a * sin_b
            out_ref[64 * k:64 * k + 64, _HALF:] = cos_a * cos_b + sin_a * sin_b


def _build_slices():
    return pl.pallas_call(
        _slice_body,
        grid=(4096 // _SL_BLK,),
        out_specs=[pl.BlockSpec((_SL_BLK, D_MODEL), lambda i: (i, 0))] * 2,
        out_shape=[jax.ShapeDtypeStruct((4096, D_MODEL), jnp.float32)] * 2,
        scratch_shapes=[pltpu.VMEM((64, D_MODEL), jnp.float32)],
    )()


def _slice2_body(np1_ref, pool2_ref, b_ref):
    pid = pl.program_id(0)

    @pl.when(pid == 0)
    def _():
        i = lax.broadcasted_iota(jnp.int32, (64, _HALF), 0).astype(jnp.float32)
        j = lax.broadcasted_iota(jnp.int32, (64, _HALF), 1).astype(jnp.float32)
        x = (2.0 * i) * jnp.exp(j * jnp.float32(_LOGK))
        b_ref[:, :_HALF] = jnp.sin(x)
        b_ref[:, _HALF:] = jnp.cos(x)

    sin_b = b_ref[:, :_HALF]
    cos_b = b_ref[:, _HALF:]
    r16 = lax.broadcasted_iota(jnp.int32, (16, _HALF), 0)
    j16 = lax.broadcasted_iota(jnp.int32, (16, _HALF), 1).astype(jnp.float32)
    inv = jnp.exp(j16 * jnp.float32(_LOGK))
    k16 = (r16 % 8).astype(jnp.float32)
    c16 = jnp.where(r16 < 8, 2048.0, 2046.0)
    xa = (c16 - jnp.float32(2 * pid * _SL_BLK) - 128.0 * k16) * inv
    sin_a16, cos_a16 = jnp.sin(xa), jnp.cos(xa)
    for k in range(_SL_BLK // 64):
        for out_ref, row in ((np1_ref, k), (pool2_ref, k + 8)):
            sin_a = sin_a16[row:row + 1, :]
            cos_a = cos_a16[row:row + 1, :]
            out_ref[64 * k:64 * k + 64, :_HALF] = sin_a * cos_b - cos_a * sin_b
            out_ref[64 * k:64 * k + 64, _HALF:] = cos_a * cos_b + sin_a * sin_b


def _build_slices2():
    return pl.pallas_call(
        _slice2_body,
        grid=(2048 // _SL_BLK,),
        out_specs=[pl.BlockSpec((_SL_BLK, D_MODEL), lambda i: (i, 0))] * 2,
        out_shape=[jax.ShapeDtypeStruct((2048, D_MODEL), jnp.float32)] * 2,
        scratch_shapes=[pltpu.VMEM((64, D_MODEL), jnp.float32)],
    )()



_CLS_BLK = 256


def _cls_body(out_ref):
    pid = pl.program_id(0)
    i = pid * _CLS_BLK + lax.broadcasted_iota(jnp.int32, (_CLS_BLK, SEQ_LEN), 0)
    j = lax.broadcasted_iota(jnp.int32, (_CLS_BLK, SEQ_LEN), 1)
    out_ref[...] = jnp.where((i > 0) & (j > 0), 1.0, 0.0).astype(jnp.float32)


def _build_cls_mask():
    return pl.pallas_call(
        _cls_body,
        grid=(SEQ_LEN // _CLS_BLK,),
        out_specs=pl.BlockSpec((_CLS_BLK, SEQ_LEN), lambda i: (i, 0)),
        out_shape=jax.ShapeDtypeStruct((SEQ_LEN, SEQ_LEN), jnp.float32),
    )()



def _sc_gather_body(table_hbm, idx_hbm, *refs):
    outs = refs[:len(_SIZES)]
    idx_v, buf0, buf1, gsem0, gsem1, ssem0, ssem1 = refs[len(_SIZES):]
    bufs = (buf0, buf1)
    gsems = (gsem0, gsem1)
    ssems = (ssem0, ssem1)

    wid = lax.axis_index("s") * NC + lax.axis_index("c")

    for o in range(len(_SIZES)):
        rw = _ROWS_W[o]
        pltpu.sync_copy(idx_hbm.at[pl.ds(_OFF_G[o] + wid * rw, rw)],
                        idx_v.at[pl.ds(_OFF_W[o], rw)])

    pending = [None, None]
    k = 0
    for o in range(len(_SIZES)):
        rw = _ROWS_W[o]
        base = wid * rw
        for c0 in range(0, rw, CHUNK):
            c = min(CHUNK, rw - c0)
            p = k & 1
            if pending[p] is not None:
                pending[p].wait()
            dst = bufs[p] if c == CHUNK else bufs[p].at[pl.ds(0, c)]
            pltpu.async_copy(
                table_hbm.at[idx_v.at[pl.ds(_OFF_W[o] + c0, c)]],
                dst, gsems[p]).wait()
            pending[p] = pltpu.async_copy(
                dst, outs[o].at[pl.ds(base + c0, c)], ssems[p])
            k += 1
    for p in range(2):
        if pending[p] is not None:
            pending[p].wait()


def _sc_gather(table, idx_all):
    mesh = plsc.VectorSubcoreMesh(core_axis_name="c", subcore_axis_name="s")
    fn = functools.partial(
        pl.kernel, _sc_gather_body, mesh=mesh,
        out_type=[jax.ShapeDtypeStruct((s, D_MODEL), jnp.float32)
                  for s in _SIZES],
        scratch_types=[
            pltpu.VMEM((_IDX_VMEM,), jnp.int32),
            pltpu.VMEM((CHUNK, D_MODEL), jnp.float32),
            pltpu.VMEM((CHUNK, D_MODEL), jnp.float32),
            pltpu.SemaphoreType.DMA,
            pltpu.SemaphoreType.DMA,
            pltpu.SemaphoreType.DMA,
            pltpu.SemaphoreType.DMA,
        ],
    )()
    return fn(table, idx_all)



def kernel(inputs_embeds, attention_mask):
    del inputs_embeds
    table = _build_table()
    np2, np3, pool3 = _sc_gather(table, jnp.asarray(_IDX_ALL))
    np0, pool1 = _build_slices()
    np1, pool2 = _build_slices2()
    cls_mask = _build_cls_mask()
    return (np0, np1, pool1, np2, pool2, np3, pool3, attention_mask, cls_mask)

# --- scband reference (transcript-rebuilt; emitter-appended) ---
"""Pipeline reference for scband-funnel-auto-enc-attention-structure-11209864642903 (READ-ONLY COPY).

The authoritative reference and input builder live on the scoring server;
editing this copy changes nothing except your own understanding.
"""

import jax, jax.numpy as jnp
import numpy as np

D_MODEL = 1024
NUM_BLOCKS = 4
SEPARATE_CLS = True
TRUNCATE_SEQ = True


def _stride_pool_pos(pos, block_index):
    # separate_cls=True, truncate_seq=True
    cls_pos = np.array([-(2 ** block_index) + 1], dtype=np.int64)
    pooled_pos_id = pos[1:-1]
    return np.concatenate([cls_pos, pooled_pos_id[::2]], axis=0)


def _relative_pos(pos, stride, pooled_pos=None, shift=1):
    if pooled_pos is None:
        pooled_pos = pos
    ref_point = int(pooled_pos[0]) - int(pos[0])
    num_remove = shift * len(pooled_pos)
    max_dist = ref_point + num_remove * stride
    min_dist = int(pooled_pos[0]) - int(pos[-1])
    return np.arange(max_dist, min_dist - 1, -stride, dtype=np.int64)


def _get_position_embeds(seq_len, dtype):
    # relative_shift attention path; dropout is identity (eval mode)
    d_model = D_MODEL
    freq_seq = jnp.arange(0, d_model // 2, dtype=dtype)
    inv_freq = 1.0 / (10000.0 ** (freq_seq / (d_model // 2)))
    rel_pos_id = jnp.arange(-seq_len * 2, seq_len * 2, dtype=dtype)
    zero_offset = seq_len * 2
    sinusoid = rel_pos_id[:, None] * inv_freq[None]
    sin_embed = jnp.sin(sinusoid)
    cos_embed = jnp.cos(sinusoid)
    pos_embed = jnp.concatenate([sin_embed, cos_embed], axis=-1)  # [4*seq_len, d_model]
    pos = np.arange(0, seq_len, dtype=np.int64)
    pooled_pos = pos
    position_embeds_list = []
    for block_index in range(NUM_BLOCKS):
        if block_index == 0:
            position_embeds_pooling = None
        else:
            pooled_pos = _stride_pool_pos(pos, block_index)
            stride = 2 ** (block_index - 1)
            rel_pos = _relative_pos(pos, stride, pooled_pos, shift=2)
            idx = jnp.asarray(rel_pos + zero_offset)
            position_embeds_pooling = jnp.take(pos_embed, idx, axis=0)
        pos = pooled_pos
        stride = 2 ** block_index
        rel_pos = _relative_pos(pos, stride)
        idx = jnp.asarray(rel_pos + zero_offset)
        position_embeds_no_pooling = jnp.take(pos_embed, idx, axis=0)
        position_embeds_list.append((position_embeds_no_pooling, position_embeds_pooling))
    return position_embeds_list


def _forward(inputs_embeds, attention_mask):
    # init_attention_inputs
    seq_len = inputs_embeds.shape[1]
    position_embeds = _get_position_embeds(seq_len, inputs_embeds.dtype)
    # separate_cls=True -> cls_mask = pad(ones(seq_len-1, seq_len-1), (1,0,1,0))
    cls_mask = jnp.pad(
        jnp.ones((seq_len - 1, seq_len - 1), dtype=inputs_embeds.dtype),
        ((1, 0), (1, 0)),
    )
    flat = []
    for no_pool, pool in position_embeds:
        flat.append(no_pool)
        if pool is not None:
            flat.append(pool)
    return tuple(flat) + (attention_mask, cls_mask)


def setup_inputs(seed: int = 0) -> dict:
    key = jax.random.key(seed)
    k1, k2 = jax.random.split(key)
    inputs_embeds = jax.random.normal(k1, (4, 2048, 1024), dtype=jnp.float32)
    attention_mask = jnp.ones((4, 2048), dtype=jnp.float32)
    return {"inputs_embeds": inputs_embeds, "attention_mask": attention_mask}


def reference(inputs_embeds, attention_mask):
    return _forward(inputs_embeds, attention_mask)

if __name__ == "__main__":
    import jax
    _d = setup_inputs()
    print(jax.jit(kernel)(*tuple(_d.values())))

</pallas_src>

<mosaic_0001>
#map = affine_map<(d0, d1) -> (0, 0)>
#map1 = affine_map<(d0, d1) -> (0)>
module attributes {stable_mosaic.version = 14 : i64} {
  func.func @_sc_gather_body(%arg0: i32, %arg1: i32, %arg2: memref<2112x1024xf32, #tpu.memory_space<hbm>>, %arg3: memref<2560xi32, #tpu.memory_space<hbm>>, %arg4: memref<1024x1024xf32, #tpu.memory_space<hbm>>, %arg5: memref<512x1024xf32, #tpu.memory_space<hbm>>, %arg6: memref<1024x1024xf32, #tpu.memory_space<hbm>>, %arg7: memref<80xi32, #tpu.memory_space<vmem>>, %arg8: memref<48x1024xf32, #tpu.memory_space<vmem>>, %arg9: memref<48x1024xf32, #tpu.memory_space<vmem>>, %arg10: memref<!tpu.dma_semaphore, #tpu.memory_space<semaphore_mem>>, %arg11: memref<!tpu.dma_semaphore, #tpu.memory_space<semaphore_mem>>, %arg12: memref<!tpu.dma_semaphore, #tpu.memory_space<semaphore_mem>>, %arg13: memref<!tpu.dma_semaphore, #tpu.memory_space<semaphore_mem>>) attributes {dimension_semantics = [#tpu.dimension_semantics<core_parallel>, #tpu.dimension_semantics<subcore_parallel>], iteration_bounds = array<i64: 2, 16>, scalar_prefetch = 0 : i64, scratch_operands = 7 : i64, tpu.core_type = #tpu.core_type<sc_vector_subcore>, window_params = [{transform_indices = #map}, {transform_indices = #map1}, {transform_indices = #map}, {transform_indices = #map}, {transform_indices = #map}]} {
    %mul3A = arith.constant 2 : i32
    %mul3A_0 = arith.muli %arg1, %mul3A : i32
    %add3A = arith.addi %mul3A_0, %arg0 : i32
    %mul3A_1 = arith.constant 32 : i32
    %mul3A_2 = arith.muli %add3A, %mul3A_1 : i32
    %add3A_3 = arith.constant 0 : i32
    %add3A_4 = arith.addi %add3A_3, %mul3A_2 : i32
    "tpu.region"() ({
      %run_scoped3A = tpu.sem_alloc : memref<!tpu.dma_semaphore, #tpu.memory_space<semaphore_mem>>
      %dma_start3A_131 = arith.constant 0 : i32
      %dma_start3A_132 = tpu.memref_slice %arg7[%dma_start3A_131] : memref<80xi32, #tpu.memory_space<vmem>> -> memref<32xi32, #tpu.memory_space<vmem>>
      %dma_start3A_133 = tpu.memref_slice %arg3[%add3A_4] : memref<2560xi32, #tpu.memory_space<hbm>> -> memref<32xi32, #tpu.memory_space<hbm>>
      %dma_start3A_134 = arith.constant 0 : i32
      %dma_start3A_135 = tpu.memref_slice %arg7[%dma_start3A_134] : memref<80xi32, #tpu.memory_space<vmem>> -> memref<32xi32, #tpu.memory_space<vmem>>
      %dma_start3A_136 = tpu.memref_slice %arg3[%add3A_4] : memref<2560xi32, #tpu.memory_space<hbm>> -> memref<32xi32, #tpu.memory_space<hbm>>
      tpu.enqueue_dma source(%dma_start3A_136 : memref<32xi32, #tpu.memory_space<hbm>>) target(%dma_start3A_135 : memref<32xi32, #tpu.memory_space<vmem>>) target_semaphore(%run_scoped3A : memref<!tpu.dma_semaphore, #tpu.memory_space<semaphore_mem>>)
      %dma_wait3A_137 = arith.constant 0 : i32
      %dma_wait3A_138 = tpu.memref_slice %arg7[%dma_wait3A_137] : memref<80xi32, #tpu.memory_space<vmem>> -> memref<32xi32, #tpu.memory_space<vmem>>
      %dma_wait3A_139 = tpu.memref_slice %arg3[%add3A_4] : memref<2560xi32, #tpu.memory_space<hbm>> -> memref<32xi32, #tpu.memory_space<hbm>>
      %dma_wait3A_140 = arith.constant 0 : i32
      %dma_wait3A_141 = tpu.memref_slice %arg7[%dma_wait3A_140] : memref<80xi32, #tpu.memory_space<vmem>> -> memref<32xi32, #tpu.memory_space<vmem>>
      %dma_wait3A_142 = tpu.memref_slice %arg3[%add3A_4] : memref<2560xi32, #tpu.memory_space<hbm>> -> memref<32xi32, #tpu.memory_space<hbm>>
      tpu.wait_dma2 semaphore(%run_scoped3A : memref<!tpu.dma_semaphore, #tpu.memory_space<semaphore_mem>>) src(%dma_wait3A_142 : memref<32xi32, #tpu.memory_space<hbm>>) dst(%dma_wait3A_141 : memref<32xi32, #tpu.memory_space<vmem>>)
      tpu.yield
    }) : () -> ()
    %mul3A_5 = arith.constant 16 : i32
    %mul3A_6 = arith.muli %add3A, %mul3A_5 : i32
    %add3A_7 = arith.constant 1024 : i32
    %add3A_8 = arith.addi %add3A_7, %mul3A_6 : i32
    "tpu.region"() ({
      %run_scoped3A = tpu.sem_alloc : memref<!tpu.dma_semaphore, #tpu.memory_space<semaphore_mem>>
      %dma_start3A_131 = arith.constant 32 : i32
      %dma_start3A_132 = tpu.memref_slice %arg7[%dma_start3A_131] : memref<80xi32, #tpu.memory_space<vmem>> -> memref<16xi32, #tpu.memory_space<vmem>>
      %dma_start3A_133 = tpu.memref_slice %arg3[%add3A_8] : memref<2560xi32, #tpu.memory_space<hbm>> -> memref<16xi32, #tpu.memory_space<hbm>>
      %dma_start3A_134 = arith.constant 32 : i32
      %dma_start3A_135 = tpu.memref_slice %arg7[%dma_start3A_134] : memref<80xi32, #tpu.memory_space<vmem>> -> memref<16xi32, #tpu.memory_space<vmem>>
      %dma_start3A_136 = tpu.memref_slice %arg3[%add3A_8] : memref<2560xi32, #tpu.memory_space<hbm>> -> memref<16xi32, #tpu.memory_space<hbm>>
      tpu.enqueue_dma source(%dma_start3A_136 : memref<16xi32, #tpu.memory_space<hbm>>) target(%dma_start3A_135 : memref<16xi32, #tpu.memory_space<vmem>>) target_semaphore(%run_scoped3A : memref<!tpu.dma_semaphore, #tpu.memory_space<semaphore_mem>>)
      %dma_wait3A_137 = arith.constant 32 : i32
      %dma_wait3A_138 = tpu.memref_slice %arg7[%dma_wait3A_137] : memref<80xi32, #tpu.memory_space<vmem>> -> memref<16xi32, #tpu.memory_space<vmem>>
      %dma_wait3A_139 = tpu.memref_slice %arg3[%add3A_8] : memref<2560xi32, #tpu.memory_space<hbm>> -> memref<16xi32, #tpu.memory_space<hbm>>
      %dma_wait3A_140 = arith.constant 32 : i32
      %dma_wait3A_141 = tpu.memref_slice %arg7[%dma_wait3A_140] : memref<80xi32, #tpu.memory_space<vmem>> -> memref<16xi32, #tpu.memory_space<vmem>>
      %dma_wait3A_142 = tpu.memref_slice %arg3[%add3A_8] : memref<2560xi32, #tpu.memory_space<hbm>> -> memref<16xi32, #tpu.memory_space<hbm>>
      tpu.wait_dma2 semaphore(%run_scoped3A : memref<!tpu.dma_semaphore, #tpu.memory_space<semaphore_mem>>) src(%dma_wait3A_142 : memref<16xi32, #tpu.memory_space<hbm>>) dst(%dma_wait3A_141 : memref<16xi32, #tpu.memory_space<vmem>>)
      tpu.yield
    }) : () -> ()
    %mul3A_9 = arith.constant 32 : i32
    %mul3A_10 = arith.muli %add3A, %mul3A_9 : i32
    %add3A_11 = arith.constant 1536 : i32
    %add3A_12 = arith.addi %add3A_11, %mul3A_10 : i32
    "tpu.region"() ({
      %run_scoped3A = tpu.sem_alloc : memref<!tpu.dma_semaphore, #tpu.memory_space<semaphore_mem>>
      %dma_start3A_131 = arith.constant 48 : i32
      %dma_start3A_132 = tpu.memref_slice %arg7[%dma_start3A_131] : memref<80xi32, #tpu.memory_space<vmem>> -> memref<32xi32, #tpu.memory_space<vmem>>
      %dma_start3A_133 = tpu.memref_slice %arg3[%add3A_12] : memref<2560xi32, #tpu.memory_space<hbm>> -> memref<32xi32, #tpu.memory_space<hbm>>
      %dma_start3A_134 = arith.constant 48 : i32
      %dma_start3A_135 = tpu.memref_slice %arg7[%dma_start3A_134] : memref<80xi32, #tpu.memory_space<vmem>> -> memref<32xi32, #tpu.memory_space<vmem>>
      %dma_start3A_136 = tpu.memref_slice %arg3[%add3A_12] : memref<2560xi32, #tpu.memory_space<hbm>> -> memref<32xi32, #tpu.memory_space<hbm>>
      tpu.enqueue_dma source(%dma_start3A_136 : memref<32xi32, #tpu.memory_space<hbm>>) target(%dma_start3A_135 : memref<32xi32, #tpu.memory_space<vmem>>) target_semaphore(%run_scoped3A : memref<!tpu.dma_semaphore, #tpu.memory_space<semaphore_mem>>)
      %dma_wait3A_137 = arith.constant 48 : i32
      %dma_wait3A_138 = tpu.memref_slice %arg7[%dma_wait3A_137] : memref<80xi32, #tpu.memory_space<vmem>> -> memref<32xi32, #tpu.memory_space<vmem>>
      %dma_wait3A_139 = tpu.memref_slice %arg3[%add3A_12] : memref<2560xi32, #tpu.memory_space<hbm>> -> memref<32xi32, #tpu.memory_space<hbm>>
      %dma_wait3A_140 = arith.constant 48 : i32
      %dma_wait3A_141 = tpu.memref_slice %arg7[%dma_wait3A_140] : memref<80xi32, #tpu.memory_space<vmem>> -> memref<32xi32, #tpu.memory_space<vmem>>
      %dma_wait3A_142 = tpu.memref_slice %arg3[%add3A_12] : memref<2560xi32, #tpu.memory_space<hbm>> -> memref<32xi32, #tpu.memory_space<hbm>>
      tpu.wait_dma2 semaphore(%run_scoped3A : memref<!tpu.dma_semaphore, #tpu.memory_space<semaphore_mem>>) src(%dma_wait3A_142 : memref<32xi32, #tpu.memory_space<hbm>>) dst(%dma_wait3A_141 : memref<32xi32, #tpu.memory_space<vmem>>)
      tpu.yield
    }) : () -> ()
    %mul3A_13 = arith.constant 32 : i32
    %mul3A_14 = arith.muli %add3A, %mul3A_13 : i32
    %dma_start3A = arith.constant 0 : i32
    %dma_start3A_15 = arith.constant 0 : i32
    %dma_start3A_16 = tpu.memref_slice %arg8[%dma_start3A, %dma_start3A_15] : memref<48x1024xf32, #tpu.memory_space<vmem>> -> memref<32x1024xf32, #tpu.memory_space<vmem>>
    %dma_start3A_17 = arith.constant 0 : i32
    %dma_start3A_18 = tpu.memref_slice %arg7[%dma_start3A_17] : memref<80xi32, #tpu.memory_space<vmem>> -> memref<32xi32, #tpu.memory_space<vmem>>
    %dma_start3A_19 = arith.constant 0 : i32
    %dma_start3A_20 = arith.constant 0 : i32
    %dma_start3A_21 = tpu.memref_slice %arg2[%dma_start3A_19, %dma_start3A_20] : memref<2112x1024xf32, #tpu.memory_space<hbm>> -> memref<2112x1024xf32, #tpu.memory_space<hbm>>
    tpu.enqueue_indirect_dma source(%dma_start3A_21 : memref<2112x1024xf32, #tpu.memory_space<hbm>>) target(%dma_start3A_16 : memref<32x1024xf32, #tpu.memory_space<vmem>>) offsets(%dma_start3A_18 : memref<32xi32, #tpu.memory_space<vmem>>) semaphore(%arg10 : memref<!tpu.dma_semaphore, #tpu.memory_space<semaphore_mem>>)
    %dma_wait3A = arith.constant 0 : i32
    %dma_wait3A_22 = arith.constant 0 : i32
    %dma_wait3A_23 = tpu.memref_slice %arg8[%dma_wait3A, %dma_wait3A_22] : memref<48x1024xf32, #tpu.memory_space<vmem>> -> memref<32x1024xf32, #tpu.memory_space<vmem>>
    %dma_wait3A_24 = arith.constant 0 : i32
    %dma_wait3A_25 = tpu.memref_slice %arg7[%dma_wait3A_24] : memref<80xi32, #tpu.memory_space<vmem>> -> memref<32xi32, #tpu.memory_space<vmem>>
    %dma_wait3A_26 = arith.constant 0 : i32
    %dma_wait3A_27 = arith.constant 0 : i32
    %dma_wait3A_28 = tpu.memref_slice %arg2[%dma_wait3A_26, %dma_wait3A_27] : memref<2112x1024xf32, #tpu.memory_space<hbm>> -> memref<2112x1024xf32, #tpu.memory_space<hbm>>
    tpu.wait_indirect_dma semaphore(%arg10 : memref<!tpu.dma_semaphore, #tpu.memory_space<semaphore_mem>>) src(%dma_wait3A_28 : memref<2112x1024xf32, #tpu.memory_space<hbm>>) dst(%dma_wait3A_23 : memref<32x1024xf32, #tpu.memory_space<vmem>>)
    %add3A_29 = arith.constant 0 : i32
    %add3A_30 = arith.addi %mul3A_14, %add3A_29 : i32
    %dma_start3A_31 = arith.constant 0 : i32
    %dma_start3A_32 = arith.constant 0 : i32
    %dma_start3A_33 = tpu.memref_slice %arg8[%dma_start3A_31, %dma_start3A_32] : memref<48x1024xf32, #tpu.memory_space<vmem>> -> memref<32x1024xf32, #tpu.memory_space<vmem>>
    %dma_start3A_34 = arith.constant 0 : i32
    %dma_start3A_35 = tpu.memref_slice %arg4[%add3A_30, %dma_start3A_34] : memref<1024x1024xf32, #tpu.memory_space<hbm>> -> memref<32x1024xf32, #tpu.memory_space<hbm>>
    %dma_start3A_36 = arith.constant 0 : i32
    %dma_start3A_37 = tpu.memref_slice %arg4[%add3A_30, %dma_start3A_36] : memref<1024x1024xf32, #tpu.memory_space<hbm>> -> memref<32x1024xf32, #tpu.memory_space<hbm>>
    %dma_start3A_38 = arith.constant 0 : i32
    %dma_start3A_39 = arith.constant 0 : i32
    %dma_start3A_40 = tpu.memref_slice %arg8[%dma_start3A_38, %dma_start3A_39] : memref<48x1024xf32, #tpu.memory_space<vmem>> -> memref<32x1024xf32, #tpu.memory_space<vmem>>
    tpu.enqueue_dma source(%dma_start3A_40 : memref<32x1024xf32, #tpu.memory_space<vmem>>) target(%dma_start3A_37 : memref<32x1024xf32, #tpu.memory_space<hbm>>) target_semaphore(%arg12 : memref<!tpu.dma_semaphore, #tpu.memory_space<semaphore_mem>>)
    %mul3A_41 = arith.constant 16 : i32
    %mul3A_42 = arith.muli %add3A, %mul3A_41 : i32
    %dma_start3A_43 = arith.constant 0 : i32
    %dma_start3A_44 = arith.constant 0 : i32
    %dma_start3A_45 = tpu.memref_slice %arg9[%dma_start3A_43, %dma_start3A_44] : memref<48x1024xf32, #tpu.memory_space<vmem>> -> memref<16x1024xf32, #tpu.memory_space<vmem>>
    %dma_start3A_46 = arith.constant 32 : i32
    %dma_start3A_47 = tpu.memref_slice %arg7[%dma_start3A_46] : memref<80xi32, #tpu.memory_space<vmem>> -> memref<16xi32, #tpu.memory_space<vmem>>
    %dma_start3A_48 = arith.constant 0 : i32
    %dma_start3A_49 = arith.constant 0 : i32
    %dma_start3A_50 = tpu.memref_slice %arg2[%dma_start3A_48, %dma_start3A_49] : memref<2112x1024xf32, #tpu.memory_space<hbm>> -> memref<2112x1024xf32, #tpu.memory_space<hbm>>
    tpu.enqueue_indirect_dma source(%dma_start3A_50 : memref<2112x1024xf32, #tpu.memory_space<hbm>>) target(%dma_start3A_45 : memref<16x1024xf32, #tpu.memory_space<vmem>>) offsets(%dma_start3A_47 : memref<16xi32, #tpu.memory_space<vmem>>) semaphore(%arg11 : memref<!tpu.dma_semaphore, #tpu.memory_space<semaphore_mem>>)
    %dma_wait3A_51 = arith.constant 0 : i32
    %dma_wait3A_52 = arith.constant 0 : i32
    %dma_wait3A_53 = tpu.memref_slice %arg9[%dma_wait3A_51, %dma_wait3A_52] : memref<48x1024xf32, #tpu.memory_space<vmem>> -> memref<16x1024xf32, #tpu.memory_space<vmem>>
    %dma_wait3A_54 = arith.constant 32 : i32
    %dma_wait3A_55 = tpu.memref_slice %arg7[%dma_wait3A_54] : memref<80xi32, #tpu.memory_space<vmem>> -> memref<16xi32, #tpu.memory_space<vmem>>
    %dma_wait3A_56 = arith.constant 0 : i32
    %dma_wait3A_57 = arith.constant 0 : i32
    %dma_wait3A_58 = tpu.memref_slice %arg2[%dma_wait3A_56, %dma_wait3A_57] : memref<2112x1024xf32, #tpu.memory_space<hbm>> -> memref<2112x1024xf32, #tpu.memory_space<hbm>>
    tpu.wait_indirect_dma semaphore(%arg11 : memref<!tpu.dma_semaphore, #tpu.memory_space<semaphore_mem>>) src(%dma_wait3A_58 : memref<2112x1024xf32, #tpu.memory_space<hbm>>) dst(%dma_wait3A_53 : memref<16x1024xf32, #tpu.memory_space<vmem>>)
    %add3A_59 = arith.constant 0 : i32
    %add3A_60 = arith.addi %mul3A_42, %add3A_59 : i32
    %dma_start3A_61 = arith.constant 0 : i32
    %dma_start3A_62 = arith.constant 0 : i32
    %dma_start3A_63 = tpu.memref_slice %arg9[%dma_start3A_61, %dma_start3A_62] : memref<48x1024xf32, #tpu.memory_space<vmem>> -> memref<16x1024xf32, #tpu.memory_space<vmem>>
    %dma_start3A_64 = arith.constant 0 : i32
    %dma_start3A_65 = tpu.memref_slice %arg5[%add3A_60, %dma_start3A_64] : memref<512x1024xf32, #tpu.memory_space<hbm>> -> memref<16x1024xf32, #tpu.memory_space<hbm>>
    %dma_start3A_66 = arith.constant 0 : i32
    %dma_start3A_67 = tpu.memref_slice %arg5[%add3A_60, %dma_start3A_66] : memref<512x1024xf32, #tpu.memory_space<hbm>> -> memref<16x1024xf32, #tpu.memory_space<hbm>>
    %dma_start3A_68 = arith.constant 0 : i32
    %dma_start3A_69 = arith.constant 0 : i32
    %dma_start3A_70 = tpu.memref_slice %arg9[%dma_start3A_68, %dma_start3A_69] : memref<48x1024xf32, #tpu.memory_space<vmem>> -> memref<16x1024xf32, #tpu.memory_space<vmem>>
    tpu.enqueue_dma source(%dma_start3A_70 : memref<16x1024xf32, #tpu.memory_space<vmem>>) target(%dma_start3A_67 : memref<16x1024xf32, #tpu.memory_space<hbm>>) target_semaphore(%arg13 : memref<!tpu.dma_semaphore, #tpu.memory_space<semaphore_mem>>)
    %mul3A_71 = arith.constant 32 : i32
    %mul3A_72 = arith.muli %add3A, %mul3A_71 : i32
    %dma_wait3A_73 = arith.constant 0 : i32
    %dma_wait3A_74 = arith.constant 0 : i32
    %dma_wait3A_75 = tpu.memref_slice %arg8[%dma_wait3A_73, %dma_wait3A_74] : memref<48x1024xf32, #tpu.memory_space<vmem>> -> memref<32x1024xf32, #tpu.memory_space<vmem>>
    %dma_wait3A_76 = arith.constant 0 : i32
    %dma_wait3A_77 = tpu.memref_slice %arg4[%add3A_30, %dma_wait3A_76] : memref<1024x1024xf32, #tpu.memory_space<hbm>> -> memref<32x1024xf32, #tpu.memory_space<hbm>>
    %dma_wait3A_78 = arith.constant 0 : i32
    %dma_wait3A_79 = tpu.memref_slice %arg4[%add3A_30, %dma_wait3A_78] : memref<1024x1024xf32, #tpu.memory_space<hbm>> -> memref<32x1024xf32, #tpu.memory_space<hbm>>
    %dma_wait3A_80 = arith.constant 0 : i32
    %dma_wait3A_81 = arith.constant 0 : i32
    %dma_wait3A_82 = tpu.memref_slice %arg8[%dma_wait3A_80, %dma_wait3A_81] : memref<48x1024xf32, #tpu.memory_space<vmem>> -> memref<32x1024xf32, #tpu.memory_space<vmem>>
    tpu.wait_dma2 semaphore(%arg12 : memref<!tpu.dma_semaphore, #tpu.memory_space<semaphore_mem>>) src(%dma_wait3A_82 : memref<32x1024xf32, #tpu.memory_space<vmem>>) dst(%dma_wait3A_79 : memref<32x1024xf32, #tpu.memory_space<hbm>>)
    %dma_start3A_83 = arith.constant 0 : i32
    %dma_start3A_84 = arith.constant 0 : i32
    %dma_start3A_85 = tpu.memref_slice %arg8[%dma_start3A_83, %dma_start3A_84] : memref<48x1024xf32, #tpu.memory_space<vmem>> -> memref<32x1024xf32, #tpu.memory_space<vmem>>
    %dma_start3A_86 = arith.constant 48 : i32
    %dma_start3A_87 = tpu.memref_slice %arg7[%dma_start3A_86] : memref<80xi32, #tpu.memory_space<vmem>> -> memref<32xi32, #tpu.memory_space<vmem>>
    %dma_start3A_88 = arith.constant 0 : i32
    %dma_start3A_89 = arith.constant 0 : i32
    %dma_start3A_90 = tpu.memref_slice %arg2[%dma_start3A_88, %dma_start3A_89] : memref<2112x1024xf32, #tpu.memory_space<hbm>> -> memref<2112x1024xf32, #tpu.memory_space<hbm>>
    tpu.enqueue_indirect_dma source(%dma_start3A_90 : memref<2112x1024xf32, #tpu.memory_space<hbm>>) target(%dma_start3A_85 : memref<32x1024xf32, #tpu.memory_space<vmem>>) offsets(%dma_start3A_87 : memref<32xi32, #tpu.memory_space<vmem>>) semaphore(%arg10 : memref<!tpu.dma_semaphore, #tpu.memory_space<semaphore_mem>>)
    %dma_wait3A_91 = arith.constant 0 : i32
    %dma_wait3A_92 = arith.constant 0 : i32
    %dma_wait3A_93 = tpu.memref_slice %arg8[%dma_wait3A_91, %dma_wait3A_92] : memref<48x1024xf32, #tpu.memory_space<vmem>> -> memref<32x1024xf32, #tpu.memory_space<vmem>>
    %dma_wait3A_94 = arith.constant 48 : i32
    %dma_wait3A_95 = tpu.memref_slice %arg7[%dma_wait3A_94] : memref<80xi32, #tpu.memory_space<vmem>> -> memref<32xi32, #tpu.memory_space<vmem>>
    %dma_wait3A_96 = arith.constant 0 : i32
    %dma_wait3A_97 = arith.constant 0 : i32
    %dma_wait3A_98 = tpu.memref_slice %arg2[%dma_wait3A_96, %dma_wait3A_97] : memref<2112x1024xf32, #tpu.memory_space<hbm>> -> memref<2112x1024xf32, #tpu.memory_space<hbm>>
    tpu.wait_indirect_dma semaphore(%arg10 : memref<!tpu.dma_semaphore, #tpu.memory_space<semaphore_mem>>) src(%dma_wait3A_98 : memref<2112x1024xf32, #tpu.memory_space<hbm>>) dst(%dma_wait3A_93 : memref<32x1024xf32, #tpu.memory_space<vmem>>)
    %add3A_99 = arith.constant 0 : i32
    %add3A_100 = arith.addi %mul3A_72, %add3A_99 : i32
    %dma_start3A_101 = arith.constant 0 : i32
    %dma_start3A_102 = arith.constant 0 : i32
    %dma_start3A_103 = tpu.memref_slice %arg8[%dma_start3A_101, %dma_start3A_102] : memref<48x1024xf32, #tpu.memory_space<vmem>> -> memref<32x1024xf32, #tpu.memory_space<vmem>>
    %dma_start3A_104 = arith.constant 0 : i32
    %dma_start3A_105 = tpu.memref_slice %arg6[%add3A_100, %dma_start3A_104] : memref<1024x1024xf32, #tpu.memory_space<hbm>> -> memref<32x1024xf32, #tpu.memory_space<hbm>>
    %dma_start3A_106 = arith.constant 0 : i32
    %dma_start3A_107 = tpu.memref_slice %arg6[%add3A_100, %dma_start3A_106] : memref<1024x1024xf32, #tpu.memory_space<hbm>> -> memref<32x1024xf32, #tpu.memory_space<hbm>>
    %dma_start3A_108 = arith.constant 0 : i32
    %dma_start3A_109 = arith.constant 0 : i32
    %dma_start3A_110 = tpu.memref_slice %arg8[%dma_start3A_108, %dma_start3A_109] : memref<48x1024xf32, #tpu.memory_space<vmem>> -> memref<32x1024xf32, #tpu.memory_space<vmem>>
    tpu.enqueue_dma source(%dma_start3A_110 : memref<32x1024xf32, #tpu.memory_space<vmem>>) target(%dma_start3A_107 : memref<32x1024xf32, #tpu.memory_space<hbm>>) target_semaphore(%arg12 : memref<!tpu.dma_semaphore, #tpu.memory_space<semaphore_mem>>)
    %dma_wait3A_111 = arith.constant 0 : i32
    %dma_wait3A_112 = arith.constant 0 : i32
    %dma_wait3A_113 = tpu.memref_slice %arg8[%dma_wait3A_111, %dma_wait3A_112] : memref<48x1024xf32, #tpu.memory_space<vmem>> -> memref<32x1024xf32, #tpu.memory_space<vmem>>
    %dma_wait3A_114 = arith.constant 0 : i32
    %dma_wait3A_115 = tpu.memref_slice %arg6[%add3A_100, %dma_wait3A_114] : memref<1024x1024xf32, #tpu.memory_space<hbm>> -> memref<32x1024xf32, #tpu.memory_space<hbm>>
    %dma_wait3A_116 = arith.constant 0 : i32
    %dma_wait3A_117 = tpu.memref_slice %arg6[%add3A_100, %dma_wait3A_116] : memref<1024x1024xf32, #tpu.memory_space<hbm>> -> memref<32x1024xf32, #tpu.memory_space<hbm>>
    %dma_wait3A_118 = arith.constant 0 : i32
    %dma_wait3A_119 = arith.constant 0 : i32
    %dma_wait3A_120 = tpu.memref_slice %arg8[%dma_wait3A_118, %dma_wait3A_119] : memref<48x1024xf32, #tpu.memory_space<vmem>> -> memref<32x1024xf32, #tpu.memory_space<vmem>>
    tpu.wait_dma2 semaphore(%arg12 : memref<!tpu.dma_semaphore, #tpu.memory_space<semaphore_mem>>) src(%dma_wait3A_120 : memref<32x1024xf32, #tpu.memory_space<vmem>>) dst(%dma_wait3A_117 : memref<32x1024xf32, #tpu.memory_space<hbm>>)
    %dma_wait3A_121 = arith.constant 0 : i32
    %dma_wait3A_122 = arith.constant 0 : i32
    %dma_wait3A_123 = tpu.memref_slice %arg9[%dma_wait3A_121, %dma_wait3A_122] : memref<48x1024xf32, #tpu.memory_space<vmem>> -> memref<16x1024xf32, #tpu.memory_space<vmem>>
    %dma_wait3A_124 = arith.constant 0 : i32
    %dma_wait3A_125 = tpu.memref_slice %arg5[%add3A_60, %dma_wait3A_124] : memref<512x1024xf32, #tpu.memory_space<hbm>> -> memref<16x1024xf32, #tpu.memory_space<hbm>>
    %dma_wait3A_126 = arith.constant 0 : i32
    %dma_wait3A_127 = tpu.memref_slice %arg5[%add3A_60, %dma_wait3A_126] : memref<512x1024xf32, #tpu.memory_space<hbm>> -> memref<16x1024xf32, #tpu.memory_space<hbm>>
    %dma_wait3A_128 = arith.constant 0 : i32
    %dma_wait3A_129 = arith.constant 0 : i32
    %dma_wait3A_130 = tpu.memref_slice %arg9[%dma_wait3A_128, %dma_wait3A_129] : memref<48x1024xf32, #tpu.memory_space<vmem>> -> memref<16x1024xf32, #tpu.memory_space<vmem>>
    tpu.wait_dma2 semaphore(%arg13 : memref<!tpu.dma_semaphore, #tpu.memory_space<semaphore_mem>>) src(%dma_wait3A_130 : memref<16x1024xf32, #tpu.memory_space<vmem>>) dst(%dma_wait3A_127 : memref<16x1024xf32, #tpu.memory_space<hbm>>)
    return
  }
}

module attributes {stable_mosaic.version = 14 : i64} {
  func.func @_cls_body(%arg0: i32, %arg1: memref<256x2048xf32, #tpu.memory_space<vmem>>) attributes {dimension_semantics = [#tpu.dimension_semantics<arbitrary>], iteration_bounds = array<i64: 8>, scalar_prefetch = 0 : i64, scratch_operands = 0 : i64, tpu.core_type = #tpu.core_type<tc>, window_params = [{transform_indices = @transform_0, window_bounds = array<i64: 256, 2048>}]} {
    %mul3A = arith.constant 256 : i32
    %mul3A_0 = arith.muli %arg0, %mul3A : i32
    %iota3A = tpu.iota {dimensions = array<i32: 0>} : vector<256x2048xi32>
    %add3A = vector.broadcast %mul3A_0 : i32 to vector<256x2048xi32>
    %add3A_1 = arith.addi %add3A, %iota3A : vector<256x2048xi32>
    %iota3A_2 = tpu.iota {dimensions = array<i32: 1>} : vector<256x2048xi32>
    %gt3A = arith.constant 0 : i32
    %gt3A_3 = vector.broadcast %gt3A : i32 to vector<256x2048xi32>
    %gt3A_4 = arith.cmpi sgt, %add3A_1, %gt3A_3 : vector<256x2048xi32>
    %gt3A_5 = arith.constant 0 : i32
    %gt3A_6 = vector.broadcast %gt3A_5 : i32 to vector<256x2048xi32>
    %gt3A_7 = arith.cmpi sgt, %iota3A_2, %gt3A_6 : vector<256x2048xi32>
    %and3A = arith.andi %gt3A_4, %gt3A_7 : vector<256x2048xi1>
    %jit3A = arith.constant 1.000000e+00 : f32
    %jit3A_8 = arith.constant 0.000000e+00 : f32
    %broadcast_in_dim3A = vector.broadcast %jit3A : f32 to vector<256x2048xf32>
    %broadcast_in_dim3A_9 = vector.broadcast %jit3A_8 : f32 to vector<256x2048xf32>
    %select_n3A = arith.select %and3A, %broadcast_in_dim3A, %broadcast_in_dim3A_9 : vector<256x2048xi1>, vector<256x2048xf32>
    %swap3A = arith.constant 0 : index
    %swap3A_10 = arith.constant 0 : index
    %swap3A_11 = vector.load %arg1[%swap3A, %swap3A_10] : memref<256x2048xf32, #tpu.memory_space<vmem>>, vector<256x2048xf32>
    tpu.vector_store %arg1[%swap3A, %swap3A_10], %select_n3A {strides = array<i32>} : memref<256x2048xf32, #tpu.memory_space<vmem>>, vector<256x2048xf32>,
    return
  }
  func.func @transform_0(%arg0: i32) -> (i32, i32) {
    %c0_i32 = arith.constant 0 : i32
    %c0_i32_0 = arith.constant 0 : i32
    return %arg0, %c0_i32 : i32, i32
  }
}

module attributes {stable_mosaic.version = 14 : i64} {
  func.func @_table_body(%arg0: i32, %arg1: memref<704x1024xf32, #tpu.memory_space<vmem>>, %arg2: memref<64x1024xf32, #tpu.memory_space<vmem>>) attributes {dimension_semantics = [#tpu.dimension_semantics<arbitrary>], iteration_bounds = array<i64: 3>, scalar_prefetch = 0 : i64, scratch_operands = 1 : i64, tpu.core_type = #tpu.core_type<tc>, window_params = [{transform_indices = @transform_0, window_bounds = array<i64: 704, 1024>}]} {
    %eq3A = arith.constant 0 : i32
    %eq3A_0 = arith.cmpi eq, %arg0, %eq3A : i32
    %convert_element_type3A = arith.extui %eq3A_0 : i1 to i32
    %cond3A = arith.constant 0 : i32
    %cond3A_1 = arith.cmpi ne, %convert_element_type3A, %cond3A : i32
    scf.if %cond3A_1 {
      %iota3A_219 = tpu.iota {dimensions = array<i32: 0>} : vector<64x512xi32>
      %convert_element_type3A_220 = arith.sitofp %iota3A_219 : vector<64x512xi32> to vector<64x512xf32>
      %iota3A_221 = tpu.iota {dimensions = array<i32: 1>} : vector<64x512xi32>
      %convert_element_type3A_222 = arith.sitofp %iota3A_221 : vector<64x512xi32> to vector<64x512xf32>
      %mul3A_223 = arith.constant 2.000000e+00 : f32
      %mul3A_224 = vector.broadcast %mul3A_223 : f32 to vector<64x512xf32>
      %mul3A_225 = arith.mulf %mul3A_224, %convert_element_type3A_220 : vector<64x512xf32>
      %mul3A_226 = arith.constant -0.0179889463 : f32
      %mul3A_227 = vector.broadcast %mul3A_226 : f32 to vector<64x512xf32>
      %mul3A_228 = arith.mulf %convert_element_type3A_222, %mul3A_227 : vector<64x512xf32>
      %exp3A_229 = math.exp %mul3A_228 : vector<64x512xf32>
      %mul3A_230 = arith.mulf %mul3A_225, %exp3A_229 : vector<64x512xf32>
      %sin3A_231 = math.sin %mul3A_230 : vector<64x512xf32>
      %swap3A_232 = arith.constant 0 : index
      %swap3A_233 = arith.constant 0 : index
      %swap3A_234 = vector.load %arg2[%swap3A_232, %swap3A_233] : memref<64x1024xf32, #tpu.memory_space<vmem>>, vector<64x512xf32>
      tpu.vector_store %arg2[%swap3A_232, %swap3A_233], %sin3A_231 {strides = array<i32>} : memref<64x1024xf32, #tpu.memory_space<vmem>>, vector<64x512xf32>,
      %cos3A_235 = math.cos %mul3A_230 : vector<64x512xf32>
      %swap3A_236 = arith.constant 0 : index
      %swap3A_237 = arith.constant 512 : index
      %swap3A_238 = vector.load %arg2[%swap3A_236, %swap3A_237] : memref<64x1024xf32, #tpu.memory_space<vmem>>, vector<64x512xf32>
      tpu.vector_store %arg2[%swap3A_236, %swap3A_237], %cos3A_235 {strides = array<i32>} : memref<64x1024xf32, #tpu.memory_space<vmem>>, vector<64x512xf32>,
    } else {
    }
    %get3A = arith.constant 0 : index
    %get3A_2 = arith.constant 0 : index
    %get3A_3 = vector.load %arg2[%get3A, %get3A_2] : memref<64x1024xf32, #tpu.memory_space<vmem>>, vector<64x512xf32>
    %get3A_4 = arith.constant 0 : index
    %get3A_5 = arith.constant 512 : index
    %get3A_6 = vector.load %arg2[%get3A_4, %get3A_5] : memref<64x1024xf32, #tpu.memory_space<vmem>>, vector<64x512xf32>
    %iota3A = tpu.iota {dimensions = array<i32: 0>} : vector<16x512xi32>
    %convert_element_type3A_7 = arith.sitofp %iota3A : vector<16x512xi32> to vector<16x512xf32>
    %iota3A_8 = tpu.iota {dimensions = array<i32: 1>} : vector<16x512xi32>
    %convert_element_type3A_9 = arith.sitofp %iota3A_8 : vector<16x512xi32> to vector<16x512xf32>
    %mul3A = arith.constant -0.0179889463 : f32
    %mul3A_10 = vector.broadcast %mul3A : f32 to vector<16x512xf32>
    %mul3A_11 = arith.mulf %convert_element_type3A_9, %mul3A_10 : vector<16x512xf32>
    %exp3A = math.exp %mul3A_11 : vector<16x512xf32>
    %mul3A_12 = arith.constant 2 : i32
    %mul3A_13 = arith.muli %mul3A_12, %arg0 : i32
    %mul3A_14 = arith.constant 704 : i32
    %mul3A_15 = arith.muli %mul3A_13, %mul3A_14 : i32
    %sub3A = arith.constant 2048 : i32
    %sub3A_16 = arith.subi %mul3A_15, %sub3A : i32
    %convert_element_type3A_17 = arith.sitofp %sub3A_16 : i32 to f32
    %mul3A_18 = arith.constant 1.280000e+02 : f32
    %mul3A_19 = vector.broadcast %mul3A_18 : f32 to vector<16x512xf32>
    %mul3A_20 = arith.mulf %mul3A_19, %convert_element_type3A_7 : vector<16x512xf32>
    %add3A = vector.broadcast %convert_element_type3A_17 : f32 to vector<16x512xf32>
    %add3A_21 = arith.addf %add3A, %mul3A_20 : vector<16x512xf32>
    %mul3A_22 = arith.mulf %add3A_21, %exp3A : vector<16x512xf32>
    %sin3A = math.sin %mul3A_22 : vector<16x512xf32>
    %cos3A = math.cos %mul3A_22 : vector<16x512xf32>
    %slice3A = vector.extract_strided_slice %sin3A {offsets = [0, 0], sizes = [1, 512], strides = [1, 1]} : vector<16x512xf32> to vector<1x512xf32>
    %slice3A_23 = vector.extract_strided_slice %cos3A {offsets = [0, 0], sizes = [1, 512], strides = [1, 1]} : vector<16x512xf32> to vector<1x512xf32>
    %mul3A_24 = vector.broadcast %slice3A : vector<1x512xf32> to vector<64x512xf32>
    %mul3A_25 = arith.mulf %mul3A_24, %get3A_6 : vector<64x512xf32>
    %mul3A_26 = vector.broadcast %slice3A_23 : vector<1x512xf32> to vector<64x512xf32>
    %mul3A_27 = arith.mulf %mul3A_26, %get3A_3 : vector<64x512xf32>
    %add3A_28 = arith.addf %mul3A_25, %mul3A_27 : vector<64x512xf32>
    %swap3A = arith.constant 0 : index
    %swap3A_29 = arith.constant 0 : index
    %swap3A_30 = vector.load %arg1[%swap3A, %swap3A_29] : memref<704x1024xf32, #tpu.memory_space<vmem>>, vector<64x512xf32>
    tpu.vector_store %arg1[%swap3A, %swap3A_29], %add3A_28 {strides = array<i32>} : memref<704x1024xf32, #tpu.memory_space<vmem>>, vector<64x512xf32>,
    %mul3A_31 = vector.broadcast %slice3A_23 : vector<1x512xf32> to vector<64x512xf32>
    %mul3A_32 = arith.mulf %mul3A_31, %get3A_6 : vector<64x512xf32>
    %mul3A_33 = vector.broadcast %slice3A : vector<1x512xf32> to vector<64x512xf32>
    %mul3A_34 = arith.mulf %mul3A_33, %get3A_3 : vector<64x512xf32>
    %sub3A_35 = arith.subf %mul3A_32, %mul3A_34 : vector<64x512xf32>
    %swap3A_36 = arith.constant 0 : index
    %swap3A_37 = arith.constant 512 : index
    %swap3A_38 = vector.load %arg1[%swap3A_36, %swap3A_37] : memref<704x1024xf32, #tpu.memory_space<vmem>>, vector<64x512xf32>
    tpu.vector_store %arg1[%swap3A_36, %swap3A_37], %sub3A_35 {strides = array<i32>} : memref<704x1024xf32, #tpu.memory_space<vmem>>, vector<64x512xf32>,
    %slice3A_39 = vector.extract_strided_slice %sin3A {offsets = [1, 0], sizes = [1, 512], strides = [1, 1]} : vector<16x512xf32> to vector<1x512xf32>
    %slice3A_40 = vector.extract_strided_slice %cos3A {offsets = [1, 0], sizes = [1, 512], strides = [1, 1]} : vector<16x512xf32> to vector<1x512xf32>
    %mul3A_41 = vector.broadcast %slice3A_39 : vector<1x512xf32> to vector<64x512xf32>
    %mul3A_42 = arith.mulf %mul3A_41, %get3A_6 : vector<64x512xf32>
    %mul3A_43 = vector.broadcast %slice3A_40 : vector<1x512xf32> to vector<64x512xf32>
    %mul3A_44 = arith.mulf %mul3A_43, %get3A_3 : vector<64x512xf32>
    %add3A_45 = arith.addf %mul3A_42, %mul3A_44 : vector<64x512xf32>
    %swap3A_46 = arith.constant 64 : index
    %swap3A_47 = arith.constant 0 : index
    %swap3A_48 = vector.load %arg1[%swap3A_46, %swap3A_47] : memref<704x1024xf32, #tpu.memory_space<vmem>>, vector<64x512xf32>
    tpu.vector_store %arg1[%swap3A_46, %swap3A_47], %add3A_45 {strides = array<i32>} : memref<704x1024xf32, #tpu.memory_space<vmem>>, vector<64x512xf32>,
    %mul3A_49 = vector.broadcast %slice3A_40 : vector<1x512xf32> to vector<64x512xf32>
    %mul3A_50 = arith.mulf %mul3A_49, %get3A_6 : vector<64x512xf32>
    %mul3A_51 = vector.broadcast %slice3A_39 : vector<1x512xf32> to vector<64x512xf32>
    %mul3A_52 = arith.mulf %mul3A_51, %get3A_3 : vector<64x512xf32>
    %sub3A_53 = arith.subf %mul3A_50, %mul3A_52 : vector<64x512xf32>
    %swap3A_54 = arith.constant 64 : index
    %swap3A_55 = arith.constant 512 : index
    %swap3A_56 = vector.load %arg1[%swap3A_54, %swap3A_55] : memref<704x1024xf32, #tpu.memory_space<vmem>>, vector<64x512xf32>
    tpu.vector_store %arg1[%swap3A_54, %swap3A_55], %sub3A_53 {strides = array<i32>} : memref<704x1024xf32, #tpu.memory_space<vmem>>, vector<64x512xf32>,
    %slice3A_57 = vector.extract_strided_slice %sin3A {offsets = [2, 0], sizes = [1, 512], strides = [1, 1]} : vector<16x512xf32> to vector<1x512xf32>
    %slice3A_58 = vector.extract_strided_slice %cos3A {offsets = [2, 0], sizes = [1, 512], strides = [1, 1]} : vector<16x512xf32> to vector<1x512xf32>
    %mul3A_59 = vector.broadcast %slice3A_57 : vector<1x512xf32> to vector<64x512xf32>
    %mul3A_60 = arith.mulf %mul3A_59, %get3A_6 : vector<64x512xf32>
    %mul3A_61 = vector.broadcast %slice3A_58 : vector<1x512xf32> to vector<64x512xf32>
    %mul3A_62 = arith.mulf %mul3A_61, %get3A_3 : vector<64x512xf32>
    %add3A_63 = arith.addf %mul3A_60, %mul3A_62 : vector<64x512xf32>
    %swap3A_64 = arith.constant 128 : index
    %swap3A_65 = arith.constant 0 : index
    %swap3A_66 = vector.load %arg1[%swap3A_64, %swap3A_65] : memref<704x1024xf32, #tpu.memory_space<vmem>>, vector<64x512xf32>
    tpu.vector_store %arg1[%swap3A_64, %swap3A_65], %add3A_63 {strides = array<i32>} : memref<704x1024xf32, #tpu.memory_space<vmem>>, vector<64x512xf32>,
    %mul3A_67 = vector.broadcast %slice3A_58 : vector<1x512xf32> to vector<64x512xf32>
    %mul3A_68 = arith.mulf %mul3A_67, %get3A_6 : vector<64x512xf32>
    %mul3A_69 = vector.broadcast %slice3A_57 : vector<1x512xf32> to vector<64x512xf32>
    %mul3A_70 = arith.mulf %mul3A_69, %get3A_3 : vector<64x512xf32>
    %sub3A_71 = arith.subf %mul3A_68, %mul3A_70 : vector<64x512xf32>
    %swap3A_72 = arith.constant 128 : index
    %swap3A_73 = arith.constant 512 : index
    %swap3A_74 = vector.load %arg1[%swap3A_72, %swap3A_73] : memref<704x1024xf32, #tpu.memory_space<vmem>>, vector<64x512xf32>
    tpu.vector_store %arg1[%swap3A_72, %swap3A_73], %sub3A_71 {strides = array<i32>} : memref<704x1024xf32, #tpu.memory_space<vmem>>, vector<64x512xf32>,
    %slice3A_75 = vector.extract_strided_slice %sin3A {offsets = [3, 0], sizes = [1, 512], strides = [1, 1]} : vector<16x512xf32> to vector<1x512xf32>
    %slice3A_76 = vector.extract_strided_slice %cos3A {offsets = [3, 0], sizes = [1, 512], strides = [1, 1]} : vector<16x512xf32> to vector<1x512xf32>
    %mul3A_77 = vector.broadcast %slice3A_75 : vector<1x512xf32> to vector<64x512xf32>
    %mul3A_78 = arith.mulf %mul3A_77, %get3A_6 : vector<64x512xf32>
    %mul3A_79 = vector.broadcast %slice3A_76 : vector<1x512xf32> to vector<64x512xf32>
    %mul3A_80 = arith.mulf %mul3A_79, %get3A_3 : vector<64x512xf32>
    %add3A_81 = arith.addf %mul3A_78, %mul3A_80 : vector<64x512xf32>
    %swap3A_82 = arith.constant 192 : index
    %swap3A_83 = arith.constant 0 : index
    %swap3A_84 = vector.load %arg1[%swap3A_82, %swap3A_83] : memref<704x1024xf32, #tpu.memory_space<vmem>>, vector<64x512xf32>
    tpu.vector_store %arg1[%swap3A_82, %swap3A_83], %add3A_81 {strides = array<i32>} : memref<704x1024xf32, #tpu.memory_space<vmem>>, vector<64x512xf32>,
    %mul3A_85 = vector.broadcast %slice3A_76 : vector<1x512xf32> to vector<64x512xf32>
    %mul3A_86 = arith.mulf %mul3A_85, %get3A_6 : vector<64x512xf32>
    %mul3A_87 = vector.broadcast %slice3A_75 : vector<1x512xf32> to vector<64x512xf32>
    %mul3A_88 = arith.mulf %mul3A_87, %get3A_3 : vector<64x512xf32>
    %sub3A_89 = arith.subf %mul3A_86, %mul3A_88 : vector<64x512xf32>
    %swap3A_90 = arith.constant 192 : index
    %swap3A_91 = arith.constant 512 : index
    %swap3A_92 = vector.load %arg1[%swap3A_90, %swap3A_91] : memref<704x1024xf32, #tpu.memory_space<vmem>>, vector<64x512xf32>
    tpu.vector_store %arg1[%swap3A_90, %swap3A_91], %sub3A_89 {strides = array<i32>} : memref<704x1024xf32, #tpu.memory_space<vmem>>, vector<64x512xf32>,
    %slice3A_93 = vector.extract_strided_slice %sin3A {offsets = [4, 0], sizes = [1, 512], strides = [1, 1]} : vector<16x512xf32> to vector<1x512xf32>
    %slice3A_94 = vector.extract_strided_slice %cos3A {offsets = [4, 0], sizes = [1, 512], strides = [1, 1]} : vector<16x512xf32> to vector<1x512xf32>
    %mul3A_95 = vector.broadcast %slice3A_93 : vector<1x512xf32> to vector<64x512xf32>
    %mul3A_96 = arith.mulf %mul3A_95, %get3A_6 : vector<64x512xf32>
    %mul3A_97 = vector.broadcast %slice3A_94 : vector<1x512xf32> to vector<64x512xf32>
    %mul3A_98 = arith.mulf %mul3A_97, %get3A_3 : vector<64x512xf32>
    %add3A_99 = arith.addf %mul3A_96, %mul3A_98 : vector<64x512xf32>
    %swap3A_100 = arith.constant 256 : index
    %swap3A_101 = arith.constant 0 : index
    %swap3A_102 = vector.load %arg1[%swap3A_100, %swap3A_101] : memref<704x1024xf32, #tpu.memory_space<vmem>>, vector<64x512xf32>
    tpu.vector_store %arg1[%swap3A_100, %swap3A_101], %add3A_99 {strides = array<i32>} : memref<704x1024xf32, #tpu.memory_space<vmem>>, vector<64x512xf32>,
    %mul3A_103 = vector.broadcast %slice3A_94 : vector<1x512xf32> to vector<64x512xf32>
    %mul3A_104 = arith.mulf %mul3A_103, %get3A_6 : vector<64x512xf32>
    %mul3A_105 = vector.broadcast %slice3A_93 : vector<1x512xf32> to vector<64x512xf32>
    %mul3A_106 = arith.mulf %mul3A_105, %get3A_3 : vector<64x512xf32>
    %sub3A_107 = arith.subf %mul3A_104, %mul3A_106 : vector<64x512xf32>
    %swap3A_108 = arith.constant 256 : index
    %swap3A_109 = arith.constant 512 : index
    %swap3A_110 = vector.load %arg1[%swap3A_108, %swap3A_109] : memref<704x1024xf32, #tpu.memory_space<vmem>>, vector<64x512xf32>
    tpu.vector_store %arg1[%swap3A_108, %swap3A_109], %sub3A_107 {strides = array<i32>} : memref<704x1024xf32, #tpu.memory_space<vmem>>, vector<64x512xf32>,
    %slice3A_111 = vector.extract_strided_slice %sin3A {offsets = [5, 0], sizes = [1, 512], strides = [1, 1]} : vector<16x512xf32> to vector<1x512xf32>
    %slice3A_112 = vector.extract_strided_slice %cos3A {offsets = [5, 0], sizes = [1, 512], strides = [1, 1]} : vector<16x512xf32> to vector<1x512xf32>
    %mul3A_113 = vector.broadcast %slice3A_111 : vector<1x512xf32> to vector<64x512xf32>
    %mul3A_114 = arith.mulf %mul3A_113, %get3A_6 : vector<64x512xf32>
    %mul3A_115 = vector.broadcast %slice3A_112 : vector<1x512xf32> to vector<64x512xf32>
    %mul3A_116 = arith.mulf %mul3A_115, %get3A_3 : vector<64x512xf32>
    %add3A_117 = arith.addf %mul3A_114, %mul3A_116 : vector<64x512xf32>
    %swap3A_118 = arith.constant 320 : index
    %swap3A_119 = arith.constant 0 : index
    %swap3A_120 = vector.load %arg1[%swap3A_118, %swap3A_119] : memref<704x1024xf32, #tpu.memory_space<vmem>>, vector<64x512xf32>
    tpu.vector_store %arg1[%swap3A_118, %swap3A_119], %add3A_117 {strides = array<i32>} : memref<704x1024xf32, #tpu.memory_space<vmem>>, vector<64x512xf32>,
    %mul3A_121 = vector.broadcast %slice3A_112 : vector<1x512xf32> to vector<64x512xf32>
    %mul3A_122 = arith.mulf %mul3A_121, %get3A_6 : vector<64x512xf32>
    %mul3A_123 = vector.broadcast %slice3A_111 : vector<1x512xf32> to vector<64x512xf32>
    %mul3A_124 = arith.mulf %mul3A_123, %get3A_3 : vector<64x512xf32>
    %sub3A_125 = arith.subf %mul3A_122, %mul3A_124 : vector<64x512xf32>
    %swap3A_126 = arith.constant 320 : index
    %swap3A_127 = arith.constant 512 : index
    %swap3A_128 = vector.load %arg1[%swap3A_126, %swap3A_127] : memref<704x1024xf32, #tpu.memory_space<vmem>>, vector<64x512xf32>
    tpu.vector_store %arg1[%swap3A_126, %swap3A_127], %sub3A_125 {strides = array<i32>} : memref<704x1024xf32, #tpu.memory_space<vmem>>, vector<64x512xf32>,
    %slice3A_129 = vector.extract_strided_slice %sin3A {offsets = [6, 0], sizes = [1, 512], strides = [1, 1]} : vector<16x512xf32> to vector<1x512xf32>
    %slice3A_130 = vector.extract_strided_slice %cos3A {offsets = [6, 0], sizes = [1, 512], strides = [1, 1]} : vector<16x512xf32> to vector<1x512xf32>
    %mul3A_131 = vector.broadcast %slice3A_129 : vector<1x512xf32> to vector<64x512xf32>
    %mul3A_132 = arith.mulf %mul3A_131, %get3A_6 : vector<64x512xf32>
    %mul3A_133 = vector.broadcast %slice3A_130 : vector<1x512xf32> to vector<64x512xf32>
    %mul3A_134 = arith.mulf %mul3A_133, %get3A_3 : vector<64x512xf32>
    %add3A_135 = arith.addf %mul3A_132, %mul3A_134 : vector<64x512xf32>
    %swap3A_136 = arith.constant 384 : index
    %swap3A_137 = arith.constant 0 : index
    %swap3A_138 = vector.load %arg1[%swap3A_136, %swap3A_137] : memref<704x1024xf32, #tpu.memory_space<vmem>>, vector<64x512xf32>
    tpu.vector_store %arg1[%swap3A_136, %swap3A_137], %add3A_135 {strides = array<i32>} : memref<704x1024xf32, #tpu.memory_space<vmem>>, vector<64x512xf32>,
    %mul3A_139 = vector.broadcast %slice3A_130 : vector<1x512xf32> to vector<64x512xf32>
    %mul3A_140 = arith.mulf %mul3A_139, %get3A_6 : vector<64x512xf32>
    %mul3A_141 = vector.broadcast %slice3A_129 : vector<1x512xf32> to vector<64x512xf32>
    %mul3A_142 = arith.mulf %mul3A_141, %get3A_3 : vector<64x512xf32>
    %sub3A_143 = arith.subf %mul3A_140, %mul3A_142 : vector<64x512xf32>
    %swap3A_144 = arith.constant 384 : index
    %swap3A_145 = arith.constant 512 : index
    %swap3A_146 = vector.load %arg1[%swap3A_144, %swap3A_145] : memref<704x1024xf32, #tpu.memory_space<vmem>>, vector<64x512xf32>
    tpu.vector_store %arg1[%swap3A_144, %swap3A_145], %sub3A_143 {strides = array<i32>} : memref<704x1024xf32, #tpu.memory_space<vmem>>, vector<64x512xf32>,
    %slice3A_147 = vector.extract_strided_slice %sin3A {offsets = [7, 0], sizes = [1, 512], strides = [1, 1]} : vector<16x512xf32> to vector<1x512xf32>
    %slice3A_148 = vector.extract_strided_slice %cos3A {offsets = [7, 0], sizes = [1, 512], strides = [1, 1]} : vector<16x512xf32> to vector<1x512xf32>
    %mul3A_149 = vector.broadcast %slice3A_147 : vector<1x512xf32> to vector<64x512xf32>
    %mul3A_150 = arith.mulf %mul3A_149, %get3A_6 : vector<64x512xf32>
    %mul3A_151 = vector.broadcast %slice3A_148 : vector<1x512xf32> to vector<64x512xf32>
    %mul3A_152 = arith.mulf %mul3A_151, %get3A_3 : vector<64x512xf32>
    %add3A_153 = arith.addf %mul3A_150, %mul3A_152 : vector<64x512xf32>
    %swap3A_154 = arith.constant 448 : index
    %swap3A_155 = arith.constant 0 : index
    %swap3A_156 = vector.load %arg1[%swap3A_154, %swap3A_155] : memref<704x1024xf32, #tpu.memory_space<vmem>>, vector<64x512xf32>
    tpu.vector_store %arg1[%swap3A_154, %swap3A_155], %add3A_153 {strides = array<i32>} : memref<704x1024xf32, #tpu.memory_space<vmem>>, vector<64x512xf32>,
    %mul3A_157 = vector.broadcast %slice3A_148 : vector<1x512xf32> to vector<64x512xf32>
    %mul3A_158 = arith.mulf %mul3A_157, %get3A_6 : vector<64x512xf32>
    %mul3A_159 = vector.broadcast %slice3A_147 : vector<1x512xf32> to vector<64x512xf32>
    %mul3A_160 = arith.mulf %mul3A_159, %get3A_3 : vector<64x512xf32>
    %sub3A_161 = arith.subf %mul3A_158, %mul3A_160 : vector<64x512xf32>
    %swap3A_162 = arith.constant 448 : index
    %swap3A_163 = arith.constant 512 : index
    %swap3A_164 = vector.load %arg1[%swap3A_162, %swap3A_163] : memref<704x1024xf32, #tpu.memory_space<vmem>>, vector<64x512xf32>
    tpu.vector_store %arg1[%swap3A_162, %swap3A_163], %sub3A_161 {strides = array<i32>} : memref<704x1024xf32, #tpu.memory_space<vmem>>, vector<64x512xf32>,
    %slice3A_165 = vector.extract_strided_slice %sin3A {offsets = [8, 0], sizes = [1, 512], strides = [1, 1]} : vector<16x512xf32> to vector<1x512xf32>
    %slice3A_166 = vector.extract_strided_slice %cos3A {offsets = [8, 0], sizes = [1, 512], strides = [1, 1]} : vector<16x512xf32> to vector<1x512xf32>
    %mul3A_167 = vector.broadcast %slice3A_165 : vector<1x512xf32> to vector<64x512xf32>
    %mul3A_168 = arith.mulf %mul3A_167, %get3A_6 : vector<64x512xf32>
    %mul3A_169 = vector.broadcast %slice3A_166 : vector<1x512xf32> to vector<64x512xf32>
    %mul3A_170 = arith.mulf %mul3A_169, %get3A_3 : vector<64x512xf32>
    %add3A_171 = arith.addf %mul3A_168, %mul3A_170 : vector<64x512xf32>
    %swap3A_172 = arith.constant 512 : index
    %swap3A_173 = arith.constant 0 : index
    %swap3A_174 = vector.load %arg1[%swap3A_172, %swap3A_173] : memref<704x1024xf32, #tpu.memory_space<vmem>>, vector<64x512xf32>
    tpu.vector_store %arg1[%swap3A_172, %swap3A_173], %add3A_171 {strides = array<i32>} : memref<704x1024xf32, #tpu.memory_space<vmem>>, vector<64x512xf32>,
    %mul3A_175 = vector.broadcast %slice3A_166 : vector<1x512xf32> to vector<64x512xf32>
    %mul3A_176 = arith.mulf %mul3A_175, %get3A_6 : vector<64x512xf32>
    %mul3A_177 = vector.broadcast %slice3A_165 : vector<1x512xf32> to vector<64x512xf32>
    %mul3A_178 = arith.mulf %mul3A_177, %get3A_3 : vector<64x512xf32>
    %sub3A_179 = arith.subf %mul3A_176, %mul3A_178 : vector<64x512xf32>
    %swap3A_180 = arith.constant 512 : index
    %swap3A_181 = arith.constant 512 : index
    %swap3A_182 = vector.load %arg1[%swap3A_180, %swap3A_181] : memref<704x1024xf32, #tpu.memory_space<vmem>>, vector<64x512xf32>
    tpu.vector_store %arg1[%swap3A_180, %swap3A_181], %sub3A_179 {strides = array<i32>} : memref<704x1024xf32, #tpu.memory_space<vmem>>, vector<64x512xf32>,
    %slice3A_183 = vector.extract_strided_slice %sin3A {offsets = [9, 0], sizes = [1, 512], strides = [1, 1]} : vector<16x512xf32> to vector<1x512xf32>
    %slice3A_184 = vector.extract_strided_slice %cos3A {offsets = [9, 0], sizes = [1, 512], strides = [1, 1]} : vector<16x512xf32> to vector<1x512xf32>
    %mul3A_185 = vector.broadcast %slice3A_183 : vector<1x512xf32> to vector<64x512xf32>
    %mul3A_186 = arith.mulf %mul3A_185, %get3A_6 : vector<64x512xf32>
    %mul3A_187 = vector.broadcast %slice3A_184 : vector<1x512xf32> to vector<64x512xf32>
    %mul3A_188 = arith.mulf %mul3A_187, %get3A_3 : vector<64x512xf32>
    %add3A_189 = arith.addf %mul3A_186, %mul3A_188 : vector<64x512xf32>
    %swap3A_190 = arith.constant 576 : index
    %swap3A_191 = arith.constant 0 : index
    %swap3A_192 = vector.load %arg1[%swap3A_190, %swap3A_191] : memref<704x1024xf32, #tpu.memory_space<vmem>>, vector<64x512xf32>
    tpu.vector_store %arg1[%swap3A_190, %swap3A_191], %add3A_189 {strides = array<i32>} : memref<704x1024xf32, #tpu.memory_space<vmem>>, vector<64x512xf32>,
    %mul3A_193 = vector.broadcast %slice3A_184 : vector<1x512xf32> to vector<64x512xf32>
    %mul3A_194 = arith.mulf %mul3A_193, %get3A_6 : vector<64x512xf32>
    %mul3A_195 = vector.broadcast %slice3A_183 : vector<1x512xf32> to vector<64x512xf32>
    %mul3A_196 = arith.mulf %mul3A_195, %get3A_3 : vector<64x512xf32>
    %sub3A_197 = arith.subf %mul3A_194, %mul3A_196 : vector<64x512xf32>
    %swap3A_198 = arith.constant 576 : index
    %swap3A_199 = arith.constant 512 : index
    %swap3A_200 = vector.load %arg1[%swap3A_198, %swap3A_199] : memref<704x1024xf32, #tpu.memory_space<vmem>>, vector<64x512xf32>
    tpu.vector_store %arg1[%swap3A_198, %swap3A_199], %sub3A_197 {strides = array<i32>} : memref<704x1024xf32, #tpu.memory_space<vmem>>, vector<64x512xf32>,
    %slice3A_201 = vector.extract_strided_slice %sin3A {offsets = [10, 0], sizes = [1, 512], strides = [1, 1]} : vector<16x512xf32> to vector<1x512xf32>
    %slice3A_202 = vector.extract_strided_slice %cos3A {offsets = [10, 0], sizes = [1, 512], strides = [1, 1]} : vector<16x512xf32> to vector<1x512xf32>
    %mul3A_203 = vector.broadcast %slice3A_201 : vector<1x512xf32> to vector<64x512xf32>
    %mul3A_204 = arith.mulf %mul3A_203, %get3A_6 : vector<64x512xf32>
    %mul3A_205 = vector.broadcast %slice3A_202 : vector<1x512xf32> to vector<64x512xf32>
    %mul3A_206 = arith.mulf %mul3A_205, %get3A_3 : vector<64x512xf32>
    %add3A_207 = arith.addf %mul3A_204, %mul3A_206 : vector<64x512xf32>
    %swap3A_208 = arith.constant 640 : index
    %swap3A_209 = arith.constant 0 : index
    %swap3A_210 = vector.load %arg1[%swap3A_208, %swap3A_209] : memref<704x1024xf32, #tpu.memory_space<vmem>>, vector<64x512xf32>
    tpu.vector_store %arg1[%swap3A_208, %swap3A_209], %add3A_207 {strides = array<i32>} : memref<704x1024xf32, #tpu.memory_space<vmem>>, vector<64x512xf32>,
    %mul3A_211 = vector.broadcast %slice3A_202 : vector<1x512xf32> to vector<64x512xf32>
    %mul3A_212 = arith.mulf %mul3A_211, %get3A_6 : vector<64x512xf32>
    %mul3A_213 = vector.broadcast %slice3A_201 : vector<1x512xf32> to vector<64x512xf32>
    %mul3A_214 = arith.mulf %mul3A_213, %get3A_3 : vector<64x512xf32>
    %sub3A_215 = arith.subf %mul3A_212, %mul3A_214 : vector<64x512xf32>
    %swap3A_216 = arith.constant 640 : index
    %swap3A_217 = arith.constant 512 : index
    %swap3A_218 = vector.load %arg1[%swap3A_216, %swap3A_217] : memref<704x1024xf32, #tpu.memory_space<vmem>>, vector<64x512xf32>
    tpu.vector_store %arg1[%swap3A_216, %swap3A_217], %sub3A_215 {strides = array<i32>} : memref<704x1024xf32, #tpu.memory_space<vmem>>, vector<64x512xf32>,
    return
  }
  func.func @transform_0(%arg0: i32) -> (i32, i32) {
    %c0_i32 = arith.constant 0 : i32
    %c0_i32_0 = arith.constant 0 : i32
    return %arg0, %c0_i32 : i32, i32
  }
}

module attributes {stable_mosaic.version = 14 : i64} {
  func.func @_slice2_body(%arg0: i32, %arg1: memref<512x1024xf32, #tpu.memory_space<vmem>>, %arg2: memref<512x1024xf32, #tpu.memory_space<vmem>>, %arg3: memref<64x1024xf32, #tpu.memory_space<vmem>>) attributes {dimension_semantics = [#tpu.dimension_semantics<arbitrary>], iteration_bounds = array<i64: 4>, scalar_prefetch = 0 : i64, scratch_operands = 1 : i64, tpu.core_type = #tpu.core_type<tc>, window_params = [{transform_indices = @transform_0, window_bounds = array<i64: 512, 1024>}, {transform_indices = @transform_1, window_bounds = array<i64: 512, 1024>}]} {
    %eq3A = arith.constant 0 : i32
    %eq3A_0 = arith.cmpi eq, %arg0, %eq3A : i32
    %convert_element_type3A = arith.extui %eq3A_0 : i1 to i32
    %cond3A = arith.constant 0 : i32
    %cond3A_1 = arith.cmpi ne, %convert_element_type3A, %cond3A : i32
    scf.if %cond3A_1 {
      %iota3A_331 = tpu.iota {dimensions = array<i32: 0>} : vector<64x512xi32>
      %convert_element_type3A_332 = arith.sitofp %iota3A_331 : vector<64x512xi32> to vector<64x512xf32>
      %iota3A_333 = tpu.iota {dimensions = array<i32: 1>} : vector<64x512xi32>
      %convert_element_type3A_334 = arith.sitofp %iota3A_333 : vector<64x512xi32> to vector<64x512xf32>
      %mul3A_335 = arith.constant 2.000000e+00 : f32
      %mul3A_336 = vector.broadcast %mul3A_335 : f32 to vector<64x512xf32>
      %mul3A_337 = arith.mulf %mul3A_336, %convert_element_type3A_332 : vector<64x512xf32>
      %mul3A_338 = arith.constant -0.0179889463 : f32
      %mul3A_339 = vector.broadcast %mul3A_338 : f32 to vector<64x512xf32>
      %mul3A_340 = arith.mulf %convert_element_type3A_334, %mul3A_339 : vector<64x512xf32>
      %exp3A_341 = math.exp %mul3A_340 : vector<64x512xf32>
      %mul3A_342 = arith.mulf %mul3A_337, %exp3A_341 : vector<64x512xf32>
      %sin3A_343 = math.sin %mul3A_342 : vector<64x512xf32>
      %swap3A_344 = arith.constant 0 : index
      %swap3A_345 = arith.constant 0 : index
      %swap3A_346 = vector.load %arg3[%swap3A_344, %swap3A_345] : memref<64x1024xf32, #tpu.memory_space<vmem>>, vector<64x512xf32>
      tpu.vector_store %arg3[%swap3A_344, %swap3A_345], %sin3A_343 {strides = array<i32>} : memref<64x1024xf32, #tpu.memory_space<vmem>>, vector<64x512xf32>,
      %cos3A_347 = math.cos %mul3A_342 : vector<64x512xf32>
      %swap3A_348 = arith.constant 0 : index
      %swap3A_349 = arith.constant 512 : index
      %swap3A_350 = vector.load %arg3[%swap3A_348, %swap3A_349] : memref<64x1024xf32, #tpu.memory_space<vmem>>, vector<64x512xf32>
      tpu.vector_store %arg3[%swap3A_348, %swap3A_349], %cos3A_347 {strides = array<i32>} : memref<64x1024xf32, #tpu.memory_space<vmem>>, vector<64x512xf32>,
    } else {
    }
    %get3A = arith.constant 0 : index
    %get3A_2 = arith.constant 0 : index
    %get3A_3 = vector.load %arg3[%get3A, %get3A_2] : memref<64x1024xf32, #tpu.memory_space<vmem>>, vector<64x512xf32>
    %get3A_4 = arith.constant 0 : index
    %get3A_5 = arith.constant 512 : index
    %get3A_6 = vector.load %arg3[%get3A_4, %get3A_5] : memref<64x1024xf32, #tpu.memory_space<vmem>>, vector<64x512xf32>
    %iota3A = tpu.iota {dimensions = array<i32: 0>} : vector<16x512xi32>
    %iota3A_7 = tpu.iota {dimensions = array<i32: 1>} : vector<16x512xi32>
    %convert_element_type3A_8 = arith.sitofp %iota3A_7 : vector<16x512xi32> to vector<16x512xf32>
    %mul3A = arith.constant -0.0179889463 : f32
    %mul3A_9 = vector.broadcast %mul3A : f32 to vector<16x512xf32>
    %mul3A_10 = arith.mulf %convert_element_type3A_8, %mul3A_9 : vector<16x512xf32>
    %exp3A = math.exp %mul3A_10 : vector<16x512xf32>
    %jit3A = arith.constant 8 : i32
    %eq3A_11 = arith.constant 0 : i32
    %eq3A_12 = arith.cmpi eq, %jit3A, %eq3A_11 : i32
    %jit3A_13 = arith.constant 1 : i32
    %select_n3A = arith.select %eq3A_12, %jit3A_13, %jit3A : i32
    %rem3A = vector.broadcast %select_n3A : i32 to vector<16x512xi32>
    %rem3A_14 = arith.remsi %iota3A, %rem3A : vector<16x512xi32>
    %ne3A = arith.constant 0 : i32
    %ne3A_15 = vector.broadcast %ne3A : i32 to vector<16x512xi32>
    %ne3A_16 = arith.cmpi ne, %rem3A_14, %ne3A_15 : vector<16x512xi32>
    %lt3A = arith.constant 0 : i32
    %lt3A_17 = vector.broadcast %lt3A : i32 to vector<16x512xi32>
    %lt3A_18 = arith.cmpi slt, %rem3A_14, %lt3A_17 : vector<16x512xi32>
    %lt3A_19 = arith.constant 0 : i32
    %lt3A_20 = arith.cmpi slt, %select_n3A, %lt3A_19 : i32
    %ne3A_21 = vector.broadcast %lt3A_20 : i1 to vector<16x512xi1>
    %ne3A_22 = vector.broadcast %ne3A_21 : vector<16x512xi1> to vector<16x512xi1>
    %ne3A_23 = arith.xori %lt3A_18, %ne3A_22 : vector<16x512xi1>
    %and3A = arith.andi %ne3A_23, %ne3A_16 : vector<16x512xi1>
    %add3A = vector.broadcast %select_n3A : i32 to vector<16x512xi32>
    %add3A_24 = arith.addi %rem3A_14, %add3A : vector<16x512xi32>
    %select_n3A_25 = arith.select %and3A, %add3A_24, %rem3A_14 : vector<16x512xi1>, vector<16x512xi32>
    %convert_element_type3A_26 = arith.sitofp %select_n3A_25 : vector<16x512xi32> to vector<16x512xf32>
    %lt3A_27 = arith.constant 8 : i32
    %lt3A_28 = vector.broadcast %lt3A_27 : i32 to vector<16x512xi32>
    %lt3A_29 = arith.cmpi slt, %iota3A, %lt3A_28 : vector<16x512xi32>
    %jit3A_30 = arith.constant 2.048000e+03 : f32
    %jit3A_31 = arith.constant 2.046000e+03 : f32
    %broadcast_in_dim3A = vector.broadcast %jit3A_30 : f32 to vector<16x512xf32>
    %broadcast_in_dim3A_32 = vector.broadcast %jit3A_31 : f32 to vector<16x512xf32>
    %select_n3A_33 = arith.select %lt3A_29, %broadcast_in_dim3A, %broadcast_in_dim3A_32 : vector<16x512xi1>, vector<16x512xf32>
    %mul3A_34 = arith.constant 2 : i32
    %mul3A_35 = arith.muli %mul3A_34, %arg0 : i32
    %mul3A_36 = arith.constant 512 : i32
    %mul3A_37 = arith.muli %mul3A_35, %mul3A_36 : i32
    %convert_element_type3A_38 = arith.sitofp %mul3A_37 : i32 to f32
    %sub3A = vector.broadcast %convert_element_type3A_38 : f32 to vector<16x512xf32>
    %sub3A_39 = arith.subf %select_n3A_33, %sub3A : vector<16x512xf32>
    %mul3A_40 = arith.constant 1.280000e+02 : f32
    %mul3A_41 = vector.broadcast %mul3A_40 : f32 to vector<16x512xf32>
    %mul3A_42 = arith.mulf %mul3A_41, %convert_element_type3A_26 : vector<16x512xf32>
    %sub3A_43 = arith.subf %sub3A_39, %mul3A_42 : vector<16x512xf32>
    %mul3A_44 = arith.mulf %sub3A_43, %exp3A : vector<16x512xf32>
    %sin3A = math.sin %mul3A_44 : vector<16x512xf32>
    %cos3A = math.cos %mul3A_44 : vector<16x512xf32>
    %slice3A = vector.extract_strided_slice %sin3A {offsets = [0, 0], sizes = [1, 512], strides = [1, 1]} : vector<16x512xf32> to vector<1x512xf32>
    %slice3A_45 = vector.extract_strided_slice %cos3A {offsets = [0, 0], sizes = [1, 512], strides = [1, 1]} : vector<16x512xf32> to vector<1x512xf32>
    %mul3A_46 = vector.broadcast %slice3A : vector<1x512xf32> to vector<64x512xf32>
    %mul3A_47 = arith.mulf %mul3A_46, %get3A_6 : vector<64x512xf32>
    %mul3A_48 = vector.broadcast %slice3A_45 : vector<1x512xf32> to vector<64x512xf32>
    %mul3A_49 = arith.mulf %mul3A_48, %get3A_3 : vector<64x512xf32>
    %sub3A_50 = arith.subf %mul3A_47, %mul3A_49 : vector<64x512xf32>
    %swap3A = arith.constant 0 : index
    %swap3A_51 = arith.constant 0 : index
    %swap3A_52 = vector.load %arg1[%swap3A, %swap3A_51] : memref<512x1024xf32, #tpu.memory_space<vmem>>, vector<64x512xf32>
    tpu.vector_store %arg1[%swap3A, %swap3A_51], %sub3A_50 {strides = array<i32>} : memref<512x1024xf32, #tpu.memory_space<vmem>>, vector<64x512xf32>,
    %mul3A_53 = vector.broadcast %slice3A_45 : vector<1x512xf32> to vector<64x512xf32>
    %mul3A_54 = arith.mulf %mul3A_53, %get3A_6 : vector<64x512xf32>
    %mul3A_55 = vector.broadcast %slice3A : vector<1x512xf32> to vector<64x512xf32>
    %mul3A_56 = arith.mulf %mul3A_55, %get3A_3 : vector<64x512xf32>
    %add3A_57 = arith.addf %mul3A_54, %mul3A_56 : vector<64x512xf32>
    %swap3A_58 = arith.constant 0 : index
    %swap3A_59 = arith.constant 512 : index
    %swap3A_60 = vector.load %arg1[%swap3A_58, %swap3A_59] : memref<512x1024xf32, #tpu.memory_space<vmem>>, vector<64x512xf32>
    tpu.vector_store %arg1[%swap3A_58, %swap3A_59], %add3A_57 {strides = array<i32>} : memref<512x1024xf32, #tpu.memory_space<vmem>>, vector<64x512xf32>,
    %slice3A_61 = vector.extract_strided_slice %sin3A {offsets = [8, 0], sizes = [1, 512], strides = [1, 1]} : vector<16x512xf32> to vector<1x512xf32>
    %slice3A_62 = vector.extract_strided_slice %cos3A {offsets = [8, 0], sizes = [1, 512], strides = [1, 1]} : vector<16x512xf32> to vector<1x512xf32>
    %mul3A_63 = vector.broadcast %slice3A_61 : vector<1x512xf32> to vector<64x512xf32>
    %mul3A_64 = arith.mulf %mul3A_63, %get3A_6 : vector<64x512xf32>
    %mul3A_65 = vector.broadcast %slice3A_62 : vector<1x512xf32> to vector<64x512xf32>
    %mul3A_66 = arith.mulf %mul3A_65, %get3A_3 : vector<64x512xf32>
    %sub3A_67 = arith.subf %mul3A_64, %mul3A_66 : vector<64x512xf32>
    %swap3A_68 = arith.constant 0 : index
    %swap3A_69 = arith.constant 0 : index
    %swap3A_70 = vector.load %arg2[%swap3A_68, %swap3A_69] : memref<512x1024xf32, #tpu.memory_space<vmem>>, vector<64x512xf32>
    tpu.vector_store %arg2[%swap3A_68, %swap3A_69], %sub3A_67 {strides = array<i32>} : memref<512x1024xf32, #tpu.memory_space<vmem>>, vector<64x512xf32>,
    %mul3A_71 = vector.broadcast %slice3A_62 : vector<1x512xf32> to vector<64x512xf32>
    %mul3A_72 = arith.mulf %mul3A_71, %get3A_6 : vector<64x512xf32>
    %mul3A_73 = vector.broadcast %slice3A_61 : vector<1x512xf32> to vector<64x512xf32>
    %mul3A_74 = arith.mulf %mul3A_73, %get3A_3 : vector<64x512xf32>
    %add3A_75 = arith.addf %mul3A_72, %mul3A_74 : vector<64x512xf32>
    %swap3A_76 = arith.constant 0 : index
    %swap3A_77 = arith.constant 512 : index
    %swap3A_78 = vector.load %arg2[%swap3A_76, %swap3A_77] : memref<512x1024xf32, #tpu.memory_space<vmem>>, vector<64x512xf32>
    tpu.vector_store %arg2[%swap3A_76, %swap3A_77], %add3A_75 {strides = array<i32>} : memref<512x1024xf32, #tpu.memory_space<vmem>>, vector<64x512xf32>,
    %slice3A_79 = vector.extract_strided_slice %sin3A {offsets = [1, 0], sizes = [1, 512], strides = [1, 1]} : vector<16x512xf32> to vector<1x512xf32>
    %slice3A_80 = vector.extract_strided_slice %cos3A {offsets = [1, 0], sizes = [1, 512], strides = [1, 1]} : vector<16x512xf32> to vector<1x512xf32>
    %mul3A_81 = vector.broadcast %slice3A_79 : vector<1x512xf32> to vector<64x512xf32>
    %mul3A_82 = arith.mulf %mul3A_81, %get3A_6 : vector<64x512xf32>
    %mul3A_83 = vector.broadcast %slice3A_80 : vector<1x512xf32> to vector<64x512xf32>
    %mul3A_84 = arith.mulf %mul3A_83, %get3A_3 : vector<64x512xf32>
    %sub3A_85 = arith.subf %mul3A_82, %mul3A_84 : vector<64x512xf32>
    %swap3A_86 = arith.constant 64 : index
    %swap3A_87 = arith.constant 0 : index
    %swap3A_88 = vector.load %arg1[%swap3A_86, %swap3A_87] : memref<512x1024xf32, #tpu.memory_space<vmem>>, vector<64x512xf32>
    tpu.vector_store %arg1[%swap3A_86, %swap3A_87], %sub3A_85 {strides = array<i32>} : memref<512x1024xf32, #tpu.memory_space<vmem>>, vector<64x512xf32>,
    %mul3A_89 = vector.broadcast %slice3A_80 : vector<1x512xf32> to vector<64x512xf32>
    %mul3A_90 = arith.mulf %mul3A_89, %get3A_6 : vector<64x512xf32>
    %mul3A_91 = vector.broadcast %slice3A_79 : vector<1x512xf32> to vector<64x512xf32>
    %mul3A_92 = arith.mulf %mul3A_91, %get3A_3 : vector<64x512xf32>
    %add3A_93 = arith.addf %mul3A_90, %mul3A_92 : vector<64x512xf32>
    %swap3A_94 = arith.constant 64 : index
    %swap3A_95 = arith.constant 512 : index
    %swap3A_96 = vector.load %arg1[%swap3A_94, %swap3A_95] : memref<512x1024xf32, #tpu.memory_space<vmem>>, vector<64x512xf32>
    tpu.vector_store %arg1[%swap3A_94, %swap3A_95], %add3A_93 {strides = array<i32>} : memref<512x1024xf32, #tpu.memory_space<vmem>>, vector<64x512xf32>,
    %slice3A_97 = vector.extract_strided_slice %sin3A {offsets = [9, 0], sizes = [1, 512], strides = [1, 1]} : vector<16x512xf32> to vector<1x512xf32>
    %slice3A_98 = vector.extract_strided_slice %cos3A {offsets = [9, 0], sizes = [1, 512], strides = [1, 1]} : vector<16x512xf32> to vector<1x512xf32>
    %mul3A_99 = vector.broadcast %slice3A_97 : vector<1x512xf32> to vector<64x512xf32>
    %mul3A_100 = arith.mulf %mul3A_99, %get3A_6 : vector<64x512xf32>
    %mul3A_101 = vector.broadcast %slice3A_98 : vector<1x512xf32> to vector<64x512xf32>
    %mul3A_102 = arith.mulf %mul3A_101, %get3A_3 : vector<64x512xf32>
    %sub3A_103 = arith.subf %mul3A_100, %mul3A_102 : vector<64x512xf32>
    %swap3A_104 = arith.constant 64 : index
    %swap3A_105 = arith.constant 0 : index
    %swap3A_106 = vector.load %arg2[%swap3A_104, %swap3A_105] : memref<512x1024xf32, #tpu.memory_space<vmem>>, vector<64x512xf32>
    tpu.vector_store %arg2[%swap3A_104, %swap3A_105], %sub3A_103 {strides = array<i32>} : memref<512x1024xf32, #tpu.memory_space<vmem>>, vector<64x512xf32>,
    %mul3A_107 = vector.broadcast %slice3A_98 : vector<1x512xf32> to vector<64x512xf32>
    %mul3A_108 = arith.mulf %mul3A_107, %get3A_6 : vector<64x512xf32>
    %mul3A_109 = vector.broadcast %slice3A_97 : vector<1x512xf32> to vector<64x512xf32>
    %mul3A_110 = arith.mulf %mul3A_109, %get3A_3 : vector<64x512xf32>
    %add3A_111 = arith.addf %mul3A_108, %mul3A_110 : vector<64x512xf32>
    %swap3A_112 = arith.constant 64 : index
    %swap3A_113 = arith.constant 512 : index
    %swap3A_114 = vector.load %arg2[%swap3A_112, %swap3A_113] : memref<512x1024xf32, #tpu.memory_space<vmem>>, vector<64x512xf32>
    tpu.vector_store %arg2[%swap3A_112, %swap3A_113], %add3A_111 {strides = array<i32>} : memref<512x1024xf32, #tpu.memory_space<vmem>>, vector<64x512xf32>,
    %slice3A_115 = vector.extract_strided_slice %sin3A {offsets = [2, 0], sizes = [1, 512], strides = [1, 1]} : vector<16x512xf32> to vector<1x512xf32>
    %slice3A_116 = vector.extract_strided_slice %cos3A {offsets = [2, 0], sizes = [1, 512], strides = [1, 1]} : vector<16x512xf32> to vector<1x512xf32>
    %mul3A_117 = vector.broadcast %slice3A_115 : vector<1x512xf32> to vector<64x512xf32>
    %mul3A_118 = arith.mulf %mul3A_117, %get3A_6 : vector<64x512xf32>
    %mul3A_119 = vector.broadcast %slice3A_116 : vector<1x512xf32> to vector<64x512xf32>
    %mul3A_120 = arith.mulf %mul3A_119, %get3A_3 : vector<64x512xf32>
    %sub3A_121 = arith.subf %mul3A_118, %mul3A_120 : vector<64x512xf32>
    %swap3A_122 = arith.constant 128 : index
    %swap3A_123 = arith.constant 0 : index
    %swap3A_124 = vector.load %arg1[%swap3A_122, %swap3A_123] : memref<512x1024xf32, #tpu.memory_space<vmem>>, vector<64x512xf32>
    tpu.vector_store %arg1[%swap3A_122, %swap3A_123], %sub3A_121 {strides = array<i32>} : memref<512x1024xf32, #tpu.memory_space<vmem>>, vector<64x512xf32>,
    %mul3A_125 = vector.broadcast %slice3A_116 : vector<1x512xf32> to vector<64x512xf32>
    %mul3A_126 = arith.mulf %mul3A_125, %get3A_6 : vector<64x512xf32>
    %mul3A_127 = vector.broadcast %slice3A_115 : vector<1x512xf32> to vector<64x512xf32>
    %mul3A_128 = arith.mulf %mul3A_127, %get3A_3 : vector<64x512xf32>
    %add3A_129 = arith.addf %mul3A_126, %mul3A_128 : vector<64x512xf32>
    %swap3A_130 = arith.constant 128 : index
    %swap3A_131 = arith.constant 512 : index
    %swap3A_132 = vector.load %arg1[%swap3A_130, %swap3A_131] : memref<512x1024xf32, #tpu.memory_space<vmem>>, vector<64x512xf32>
    tpu.vector_store %arg1[%swap3A_130, %swap3A_131], %add3A_129 {strides = array<i32>} : memref<512x1024xf32, #tpu.memory_space<vmem>>, vector<64x512xf32>,
    %slice3A_133 = vector.extract_strided_slice %sin3A {offsets = [10, 0], sizes = [1, 512], strides = [1, 1]} : vector<16x512xf32> to vector<1x512xf32>
    %slice3A_134 = vector.extract_strided_slice %cos3A {offsets = [10, 0], sizes = [1, 512], strides = [1, 1]} : vector<16x512xf32> to vector<1x512xf32>
    %mul3A_135 = vector.broadcast %slice3A_133 : vector<1x512xf32> to vector<64x512xf32>
    %mul3A_136 = arith.mulf %mul3A_135, %get3A_6 : vector<64x512xf32>
    %mul3A_137 = vector.broadcast %slice3A_134 : vector<1x512xf32> to vector<64x512xf32>
    %mul3A_138 = arith.mulf %mul3A_137, %get3A_3 : vector<64x512xf32>
    %sub3A_139 = arith.subf %mul3A_136, %mul3A_138 : vector<64x512xf32>
    %swap3A_140 = arith.constant 128 : index
    %swap3A_141 = arith.constant 0 : index
    %swap3A_142 = vector.load %arg2[%swap3A_140, %swap3A_141] : memref<512x1024xf32, #tpu.memory_space<vmem>>, vector<64x512xf32>
    tpu.vector_store %arg2[%swap3A_140, %swap3A_141], %sub3A_139 {strides = array<i32>} : memref<512x1024xf32, #tpu.memory_space<vmem>>, vector<64x512xf32>,
    %mul3A_143 = vector.broadcast %slice3A_134 : vector<1x512xf32> to vector<64x512xf32>
    %mul3A_144 = arith.mulf %mul3A_143, %get3A_6 : vector<64x512xf32>
    %mul3A_145 = vector.broadcast %slice3A_133 : vector<1x512xf32> to vector<64x512xf32>
    %mul3A_146 = arith.mulf %mul3A_145, %get3A_3 : vector<64x512xf32>
    %add3A_147 = arith.addf %mul3A_144, %mul3A_146 : vector<64x512xf32>
    %swap3A_148 = arith.constant 128 : index
    %swap3A_149 = arith.constant 512 : index
    %swap3A_150 = vector.load %arg2[%swap3A_148, %swap3A_149] : memref<512x1024xf32, #tpu.memory_space<vmem>>, vector<64x512xf32>
    tpu.vector_store %arg2[%swap3A_148, %swap3A_149], %add3A_147 {strides = array<i32>} : memref<512x1024xf32, #tpu.memory_space<vmem>>, vector<64x512xf32>,
    %slice3A_151 = vector.extract_strided_slice %sin3A {offsets = [3, 0], sizes = [1, 512], strides = [1, 1]} : vector<16x512xf32> to vector<1x512xf32>
    %slice3A_152 = vector.extract_strided_slice %cos3A {offsets = [3, 0], sizes = [1, 512], strides = [1, 1]} : vector<16x512xf32> to vector<1x512xf32>
    %mul3A_153 = vector.broadcast %slice3A_151 : vector<1x512xf32> to vector<64x512xf32>
    %mul3A_154 = arith.mulf %mul3A_153, %get3A_6 : vector<64x512xf32>
    %mul3A_155 = vector.broadcast %slice3A_152 : vector<1x512xf32> to vector<64x512xf32>
    %mul3A_156 = arith.mulf %mul3A_155, %get3A_3 : vector<64x512xf32>
    %sub3A_157 = arith.subf %mul3A_154, %mul3A_156 : vector<64x512xf32>
    %swap3A_158 = arith.constant 192 : index
    %swap3A_159 = arith.constant 0 : index
    %swap3A_160 = vector.load %arg1[%swap3A_158, %swap3A_159] : memref<512x1024xf32, #tpu.memory_space<vmem>>, vector<64x512xf32>
    tpu.vector_store %arg1[%swap3A_158, %swap3A_159], %sub3A_157 {strides = array<i32>} : memref<512x1024xf32, #tpu.memory_space<vmem>>, vector<64x512xf32>,
    %mul3A_161 = vector.broadcast %slice3A_152 : vector<1x512xf32> to vector<64x512xf32>
    %mul3A_162 = arith.mulf %mul3A_161, %get3A_6 : vector<64x512xf32>
    %mul3A_163 = vector.broadcast %slice3A_151 : vector<1x512xf32> to vector<64x512xf32>
    %mul3A_164 = arith.mulf %mul3A_163, %get3A_3 : vector<64x512xf32>
    %add3A_165 = arith.addf %mul3A_162, %mul3A_164 : vector<64x512xf32>
    %swap3A_166 = arith.constant 192 : index
    %swap3A_167 = arith.constant 512 : index
    %swap3A_168 = vector.load %arg1[%swap3A_166, %swap3A_167] : memref<512x1024xf32, #tpu.memory_space<vmem>>, vector<64x512xf32>
    tpu.vector_store %arg1[%swap3A_166, %swap3A_167], %add3A_165 {strides = array<i32>} : memref<512x1024xf32, #tpu.memory_space<vmem>>, vector<64x512xf32>,
    %slice3A_169 = vector.extract_strided_slice %sin3A {offsets = [11, 0], sizes = [1, 512], strides = [1, 1]} : vector<16x512xf32> to vector<1x512xf32>
    %slice3A_170 = vector.extract_strided_slice %cos3A {offsets = [11, 0], sizes = [1, 512], strides = [1, 1]} : vector<16x512xf32> to vector<1x512xf32>
    %mul3A_171 = vector.broadcast %slice3A_169 : vector<1x512xf32> to vector<64x512xf32>
    %mul3A_172 = arith.mulf %mul3A_171, %get3A_6 : vector<64x512xf32>
    %mul3A_173 = vector.broadcast %slice3A_170 : vector<1x512xf32> to vector<64x512xf32>
    %mul3A_174 = arith.mulf %mul3A_173, %get3A_3 : vector<64x512xf32>
    %sub3A_175 = arith.subf %mul3A_172, %mul3A_174 : vector<64x512xf32>
    %swap3A_176 = arith.constant 192 : index
    %swap3A_177 = arith.constant 0 : index
    %swap3A_178 = vector.load %arg2[%swap3A_176, %swap3A_177] : memref<512x1024xf32, #tpu.memory_space<vmem>>, vector<64x512xf32>
    tpu.vector_store %arg2[%swap3A_176, %swap3A_177], %sub3A_175 {strides = array<i32>} : memref<512x1024xf32, #tpu.memory_space<vmem>>, vector<64x512xf32>,
    %mul3A_179 = vector.broadcast %slice3A_170 : vector<1x512xf32> to vector<64x512xf32>
    %mul3A_180 = arith.mulf %mul3A_179, %get3A_6 : vector<64x512xf32>
    %mul3A_181 = vector.broadcast %slice3A_169 : vector<1x512xf32> to vector<64x512xf32>
    %mul3A_182 = arith.mulf %mul3A_181, %get3A_3 : vector<64x512xf32>
    %add3A_183 = arith.addf %mul3A_180, %mul3A_182 : vector<64x512xf32>
    %swap3A_184 = arith.constant 192 : index
    %swap3A_185 = arith.constant 512 : index
    %swap3A_186 = vector.load %arg2[%swap3A_184, %swap3A_185] : memref<512x1024xf32, #tpu.memory_space<vmem>>, vector<64x512xf32>
    tpu.vector_store %arg2[%swap3A_184, %swap3A_185], %add3A_183 {strides = array<i32>} : memref<512x1024xf32, #tpu.memory_space<vmem>>, vector<64x512xf32>,
    %slice3A_187 = vector.extract_strided_slice %sin3A {offsets = [4, 0], sizes = [1, 512], strides = [1, 1]} : vector<16x512xf32> to vector<1x512xf32>
    %slice3A_188 = vector.extract_strided_slice %cos3A {offsets = [4, 0], sizes = [1, 512], strides = [1, 1]} : vector<16x512xf32> to vector<1x512xf32>
    %mul3A_189 = vector.broadcast %slice3A_187 : vector<1x512xf32> to vector<64x512xf32>
    %mul3A_190 = arith.mulf %mul3A_189, %get3A_6 : vector<64x512xf32>
    %mul3A_191 = vector.broadcast %slice3A_188 : vector<1x512xf32> to vector<64x512xf32>
    %mul3A_192 = arith.mulf %mul3A_191, %get3A_3 : vector<64x512xf32>
    %sub3A_193 = arith.subf %mul3A_190, %mul3A_192 : vector<64x512xf32>
    %swap3A_194 = arith.constant 256 : index
    %swap3A_195 = arith.constant 0 : index
    %swap3A_196 = vector.load %arg1[%swap3A_194, %swap3A_195] : memref<512x1024xf32, #tpu.memory_space<vmem>>, vector<64x512xf32>
    tpu.vector_store %arg1[%swap3A_194, %swap3A_195], %sub3A_193 {strides = array<i32>} : memref<512x1024xf32, #tpu.memory_space<vmem>>, vector<64x512xf32>,
    %mul3A_197 = vector.broadcast %slice3A_188 : vector<1x512xf32> to vector<64x512xf32>
    %mul3A_198 = arith.mulf %mul3A_197, %get3A_6 : vector<64x512xf32>
    %mul3A_199 = vector.broadcast %slice3A_187 : vector<1x512xf32> to vector<64x512xf32>
    %mul3A_200 = arith.mulf %mul3A_199, %get3A_3 : vector<64x512xf32>
    %add3A_201 = arith.addf %mul3A_198, %mul3A_200 : vector<64x512xf32>
    %swap3A_202 = arith.constant 256 : index
    %swap3A_203 = arith.constant 512 : index
    %swap3A_204 = vector.load %arg1[%swap3A_202, %swap3A_203] : memref<512x1024xf32, #tpu.memory_space<vmem>>, vector<64x512xf32>
    tpu.vector_store %arg1[%swap3A_202, %swap3A_203], %add3A_201 {strides = array<i32>} : memref<512x1024xf32, #tpu.memory_space<vmem>>, vector<64x512xf32>,
    %slice3A_205 = vector.extract_strided_slice %sin3A {offsets = [12, 0], sizes = [1, 512], strides = [1, 1]} : vector<16x512xf32> to vector<1x512xf32>
    %slice3A_206 = vector.extract_strided_slice %cos3A {offsets = [12, 0], sizes = [1, 512], strides = [1, 1]} : vector<16x512xf32> to vector<1x512xf32>
    %mul3A_207 = vector.broadcast %slice3A_205 : vector<1x512xf32> to vector<64x512xf32>
    %mul3A_208 = arith.mulf %mul3A_207, %get3A_6 : vector<64x512xf32>
    %mul3A_209 = vector.broadcast %slice3A_206 : vector<1x512xf32> to vector<64x512xf32>
    %mul3A_210 = arith.mulf %mul3A_209, %get3A_3 : vector<64x512xf32>
    %sub3A_211 = arith.subf %mul3A_208, %mul3A_210 : vector<64x512xf32>
    %swap3A_212 = arith.constant 256 : index
    %swap3A_213 = arith.constant 0 : index
    %swap3A_214 = vector.load %arg2[%swap3A_212, %swap3A_213] : memref<512x1024xf32, #tpu.memory_space<vmem>>, vector<64x512xf32>
    tpu.vector_store %arg2[%swap3A_212, %swap3A_213], %sub3A_211 {strides = array<i32>} : memref<512x1024xf32, #tpu.memory_space<vmem>>, vector<64x512xf32>,
    %mul3A_215 = vector.broadcast %slice3A_206 : vector<1x512xf32> to vector<64x512xf32>
    %mul3A_216 = arith.mulf %mul3A_215, %get3A_6 : vector<64x512xf32>
    %mul3A_217 = vector.broadcast %slice3A_205 : vector<1x512xf32> to vector<64x512xf32>
    %mul3A_218 = arith.mulf %mul3A_217, %get3A_3 : vector<64x512xf32>
    %add3A_219 = arith.addf %mul3A_216, %mul3A_218 : vector<64x512xf32>
    %swap3A_220 = arith.constant 256 : index
    %swap3A_221 = arith.constant 512 : index
    %swap3A_222 = vector.load %arg2[%swap3A_220, %swap3A_221] : memref<512x1024xf32, #tpu.memory_space<vmem>>, vector<64x512xf32>
    tpu.vector_store %arg2[%swap3A_220, %swap3A_221], %add3A_219 {strides = array<i32>} : memref<512x1024xf32, #tpu.memory_space<vmem>>, vector<64x512xf32>,
    %slice3A_223 = vector.extract_strided_slice %sin3A {offsets = [5, 0], sizes = [1, 512], strides = [1, 1]} : vector<16x512xf32> to vector<1x512xf32>
    %slice3A_224 = vector.extract_strided_slice %cos3A {offsets = [5, 0], sizes = [1, 512], strides = [1, 1]} : vector<16x512xf32> to vector<1x512xf32>
    %mul3A_225 = vector.broadcast %slice3A_223 : vector<1x512xf32> to vector<64x512xf32>
    %mul3A_226 = arith.mulf %mul3A_225, %get3A_6 : vector<64x512xf32>
    %mul3A_227 = vector.broadcast %slice3A_224 : vector<1x512xf32> to vector<64x512xf32>
    %mul3A_228 = arith.mulf %mul3A_227, %get3A_3 : vector<64x512xf32>
    %sub3A_229 = arith.subf %mul3A_226, %mul3A_228 : vector<64x512xf32>
    %swap3A_230 = arith.constant 320 : index
    %swap3A_231 = arith.constant 0 : index
    %swap3A_232 = vector.load %arg1[%swap3A_230, %swap3A_231] : memref<512x1024xf32, #tpu.memory_space<vmem>>, vector<64x512xf32>
    tpu.vector_store %arg1[%swap3A_230, %swap3A_231], %sub3A_229 {strides = array<i32>} : memref<512x1024xf32, #tpu.memory_space<vmem>>, vector<64x512xf32>,
    %mul3A_233 = vector.broadcast %slice3A_224 : vector<1x512xf32> to vector<64x512xf32>
    %mul3A_234 = arith.mulf %mul3A_233, %get3A_6 : vector<64x512xf32>
    %mul3A_235 = vector.broadcast %slice3A_223 : vector<1x512xf32> to vector<64x512xf32>
    %mul3A_236 = arith.mulf %mul3A_235, %get3A_3 : vector<64x512xf32>
    %add3A_237 = arith.addf %mul3A_234, %mul3A_236 : vector<64x512xf32>
    %swap3A_238 = arith.constant 320 : index
    %swap3A_239 = arith.constant 512 : index
    %swap3A_240 = vector.load %arg1[%swap3A_238, %swap3A_239] : memref<512x1024xf32, #tpu.memory_space<vmem>>, vector<64x512xf32>
    tpu.vector_store %arg1[%swap3A_238, %swap3A_239], %add3A_237 {strides = array<i32>} : memref<512x1024xf32, #tpu.memory_space<vmem>>, vector<64x512xf32>,
    %slice3A_241 = vector.extract_strided_slice %sin3A {offsets = [13, 0], sizes = [1, 512], strides = [1, 1]} : vector<16x512xf32> to vector<1x512xf32>
    %slice3A_242 = vector.extract_strided_slice %cos3A {offsets = [13, 0], sizes = [1, 512], strides = [1, 1]} : vector<16x512xf32> to vector<1x512xf32>
    %mul3A_243 = vector.broadcast %slice3A_241 : vector<1x512xf32> to vector<64x512xf32>
    %mul3A_244 = arith.mulf %mul3A_243, %get3A_6 : vector<64x512xf32>
    %mul3A_245 = vector.broadcast %slice3A_242 : vector<1x512xf32> to vector<64x512xf32>
    %mul3A_246 = arith.mulf %mul3A_245, %get3A_3 : vector<64x512xf32>
    %sub3A_247 = arith.subf %mul3A_244, %mul3A_246 : vector<64x512xf32>
    %swap3A_248 = arith.constant 320 : index
    %swap3A_249 = arith.constant 0 : index
    %swap3A_250 = vector.load %arg2[%swap3A_248, %swap3A_249] : memref<512x1024xf32, #tpu.memory_space<vmem>>, vector<64x512xf32>
    tpu.vector_store %arg2[%swap3A_248, %swap3A_249], %sub3A_247 {strides = array<i32>} : memref<512x1024xf32, #tpu.memory_space<vmem>>, vector<64x512xf32>,
    %mul3A_251 = vector.broadcast %slice3A_242 : vector<1x512xf32> to vector<64x512xf32>
    %mul3A_252 = arith.mulf %mul3A_251, %get3A_6 : vector<64x512xf32>
    %mul3A_253 = vector.broadcast %slice3A_241 : vector<1x512xf32> to vector<64x512xf32>
    %mul3A_254 = arith.mulf %mul3A_253, %get3A_3 : vector<64x512xf32>
    %add3A_255 = arith.addf %mul3A_252, %mul3A_254 : vector<64x512xf32>
    %swap3A_256 = arith.constant 320 : index
    %swap3A_257 = arith.constant 512 : index
    %swap3A_258 = vector.load %arg2[%swap3A_256, %swap3A_257] : memref<512x1024xf32, #tpu.memory_space<vmem>>, vector<64x512xf32>
    tpu.vector_store %arg2[%swap3A_256, %swap3A_257], %add3A_255 {strides = array<i32>} : memref<512x1024xf32, #tpu.memory_space<vmem>>, vector<64x512xf32>,
    %slice3A_259 = vector.extract_strided_slice %sin3A {offsets = [6, 0], sizes = [1, 512], strides = [1, 1]} : vector<16x512xf32> to vector<1x512xf32>
    %slice3A_260 = vector.extract_strided_slice %cos3A {offsets = [6, 0], sizes = [1, 512], strides = [1, 1]} : vector<16x512xf32> to vector<1x512xf32>
    %mul3A_261 = vector.broadcast %slice3A_259 : vector<1x512xf32> to vector<64x512xf32>
    %mul3A_262 = arith.mulf %mul3A_261, %get3A_6 : vector<64x512xf32>
    %mul3A_263 = vector.broadcast %slice3A_260 : vector<1x512xf32> to vector<64x512xf32>
    %mul3A_264 = arith.mulf %mul3A_263, %get3A_3 : vector<64x512xf32>
    %sub3A_265 = arith.subf %mul3A_262, %mul3A_264 : vector<64x512xf32>
    %swap3A_266 = arith.constant 384 : index
    %swap3A_267 = arith.constant 0 : index
    %swap3A_268 = vector.load %arg1[%swap3A_266, %swap3A_267] : memref<512x1024xf32, #tpu.memory_space<vmem>>, vector<64x512xf32>
    tpu.vector_store %arg1[%swap3A_266, %swap3A_267], %sub3A_265 {strides = array<i32>} : memref<512x1024xf32, #tpu.memory_space<vmem>>, vector<64x512xf32>,
    %mul3A_269 = vector.broadcast %slice3A_260 : vector<1x512xf32> to vector<64x512xf32>
    %mul3A_270 = arith.mulf %mul3A_269, %get3A_6 : vector<64x512xf32>
    %mul3A_271 = vector.broadcast %slice3A_259 : vector<1x512xf32> to vector<64x512xf32>
    %mul3A_272 = arith.mulf %mul3A_271, %get3A_3 : vector<64x512xf32>
    %add3A_273 = arith.addf %mul3A_270, %mul3A_272 : vector<64x512xf32>
    %swap3A_274 = arith.constant 384 : index
    %swap3A_275 = arith.constant 512 : index
    %swap3A_276 = vector.load %arg1[%swap3A_274, %swap3A_275] : memref<512x1024xf32, #tpu.memory_space<vmem>>, vector<64x512xf32>
    tpu.vector_store %arg1[%swap3A_274, %swap3A_275], %add3A_273 {strides = array<i32>} : memref<512x1024xf32, #tpu.memory_space<vmem>>, vector<64x512xf32>,
    %slice3A_277 = vector.extract_strided_slice %sin3A {offsets = [14, 0], sizes = [1, 512], strides = [1, 1]} : vector<16x512xf32> to vector<1x512xf32>
    %slice3A_278 = vector.extract_strided_slice %cos3A {offsets = [14, 0], sizes = [1, 512], strides = [1, 1]} : vector<16x512xf32> to vector<1x512xf32>
    %mul3A_279 = vector.broadcast %slice3A_277 : vector<1x512xf32> to vector<64x512xf32>
    %mul3A_280 = arith.mulf %mul3A_279, %get3A_6 : vector<64x512xf32>
    %mul3A_281 = vector.broadcast %slice3A_278 : vector<1x512xf32> to vector<64x512xf32>
    %mul3A_282 = arith.mulf %mul3A_281, %get3A_3 : vector<64x512xf32>
    %sub3A_283 = arith.subf %mul3A_280, %mul3A_282 : vector<64x512xf32>
    %swap3A_284 = arith.constant 384 : index
    %swap3A_285 = arith.constant 0 : index
    %swap3A_286 = vector.load %arg2[%swap3A_284, %swap3A_285] : memref<512x1024xf32, #tpu.memory_space<vmem>>, vector<64x512xf32>
    tpu.vector_store %arg2[%swap3A_284, %swap3A_285], %sub3A_283 {strides = array<i32>} : memref<512x1024xf32, #tpu.memory_space<vmem>>, vector<64x512xf32>,
    %mul3A_287 = vector.broadcast %slice3A_278 : vector<1x512xf32> to vector<64x512xf32>
    %mul3A_288 = arith.mulf %mul3A_287, %get3A_6 : vector<64x512xf32>
    %mul3A_289 = vector.broadcast %slice3A_277 : vector<1x512xf32> to vector<64x512xf32>
    %mul3A_290 = arith.mulf %mul3A_289, %get3A_3 : vector<64x512xf32>
    %add3A_291 = arith.addf %mul3A_288, %mul3A_290 : vector<64x512xf32>
    %swap3A_292 = arith.constant 384 : index
    %swap3A_293 = arith.constant 512 : index
    %swap3A_294 = vector.load %arg2[%swap3A_292, %swap3A_293] : memref<512x1024xf32, #tpu.memory_space<vmem>>, vector<64x512xf32>
    tpu.vector_store %arg2[%swap3A_292, %swap3A_293], %add3A_291 {strides = array<i32>} : memref<512x1024xf32, #tpu.memory_space<vmem>>, vector<64x512xf32>,
    %slice3A_295 = vector.extract_strided_slice %sin3A {offsets = [7, 0], sizes = [1, 512], strides = [1, 1]} : vector<16x512xf32> to vector<1x512xf32>
    %slice3A_296 = vector.extract_strided_slice %cos3A {offsets = [7, 0], sizes = [1, 512], strides = [1, 1]} : vector<16x512xf32> to vector<1x512xf32>
    %mul3A_297 = vector.broadcast %slice3A_295 : vector<1x512xf32> to vector<64x512xf32>
    %mul3A_298 = arith.mulf %mul3A_297, %get3A_6 : vector<64x512xf32>
    %mul3A_299 = vector.broadcast %slice3A_296 : vector<1x512xf32> to vector<64x512xf32>
    %mul3A_300 = arith.mulf %mul3A_299, %get3A_3 : vector<64x512xf32>
    %sub3A_301 = arith.subf %mul3A_298, %mul3A_300 : vector<64x512xf32>
    %swap3A_302 = arith.constant 448 : index
    %swap3A_303 = arith.constant 0 : index
    %swap3A_304 = vector.load %arg1[%swap3A_302, %swap3A_303] : memref<512x1024xf32, #tpu.memory_space<vmem>>, vector<64x512xf32>
    tpu.vector_store %arg1[%swap3A_302, %swap3A_303], %sub3A_301 {strides = array<i32>} : memref<512x1024xf32, #tpu.memory_space<vmem>>, vector<64x512xf32>,
    %mul3A_305 = vector.broadcast %slice3A_296 : vector<1x512xf32> to vector<64x512xf32>
    %mul3A_306 = arith.mulf %mul3A_305, %get3A_6 : vector<64x512xf32>
    %mul3A_307 = vector.broadcast %slice3A_295 : vector<1x512xf32> to vector<64x512xf32>
    %mul3A_308 = arith.mulf %mul3A_307, %get3A_3 : vector<64x512xf32>
    %add3A_309 = arith.addf %mul3A_306, %mul3A_308 : vector<64x512xf32>
    %swap3A_310 = arith.constant 448 : index
    %swap3A_311 = arith.constant 512 : index
    %swap3A_312 = vector.load %arg1[%swap3A_310, %swap3A_311] : memref<512x1024xf32, #tpu.memory_space<vmem>>, vector<64x512xf32>
    tpu.vector_store %arg1[%swap3A_310, %swap3A_311], %add3A_309 {strides = array<i32>} : memref<512x1024xf32, #tpu.memory_space<vmem>>, vector<64x512xf32>,
    %slice3A_313 = vector.extract_strided_slice %sin3A {offsets = [15, 0], sizes = [1, 512], strides = [1, 1]} : vector<16x512xf32> to vector<1x512xf32>
    %slice3A_314 = vector.extract_strided_slice %cos3A {offsets = [15, 0], sizes = [1, 512], strides = [1, 1]} : vector<16x512xf32> to vector<1x512xf32>
    %mul3A_315 = vector.broadcast %slice3A_313 : vector<1x512xf32> to vector<64x512xf32>
    %mul3A_316 = arith.mulf %mul3A_315, %get3A_6 : vector<64x512xf32>
    %mul3A_317 = vector.broadcast %slice3A_314 : vector<1x512xf32> to vector<64x512xf32>
    %mul3A_318 = arith.mulf %mul3A_317, %get3A_3 : vector<64x512xf32>
    %sub3A_319 = arith.subf %mul3A_316, %mul3A_318 : vector<64x512xf32>
    %swap3A_320 = arith.constant 448 : index
    %swap3A_321 = arith.constant 0 : index
    %swap3A_322 = vector.load %arg2[%swap3A_320, %swap3A_321] : memref<512x1024xf32, #tpu.memory_space<vmem>>, vector<64x512xf32>
    tpu.vector_store %arg2[%swap3A_320, %swap3A_321], %sub3A_319 {strides = array<i32>} : memref<512x1024xf32, #tpu.memory_space<vmem>>, vector<64x512xf32>,
    %mul3A_323 = vector.broadcast %slice3A_314 : vector<1x512xf32> to vector<64x512xf32>
    %mul3A_324 = arith.mulf %mul3A_323, %get3A_6 : vector<64x512xf32>
    %mul3A_325 = vector.broadcast %slice3A_313 : vector<1x512xf32> to vector<64x512xf32>
    %mul3A_326 = arith.mulf %mul3A_325, %get3A_3 : vector<64x512xf32>
    %add3A_327 = arith.addf %mul3A_324, %mul3A_326 : vector<64x512xf32>
    %swap3A_328 = arith.constant 448 : index
    %swap3A_329 = arith.constant 512 : index
    %swap3A_330 = vector.load %arg2[%swap3A_328, %swap3A_329] : memref<512x1024xf32, #tpu.memory_space<vmem>>, vector<64x512xf32>
    tpu.vector_store %arg2[%swap3A_328, %swap3A_329], %add3A_327 {strides = array<i32>} : memref<512x1024xf32, #tpu.memory_space<vmem>>, vector<64x512xf32>,
    return
  }
  func.func @transform_0(%arg0: i32) -> (i32, i32) {
    %c0_i32 = arith.constant 0 : i32
    %c0_i32_0 = arith.constant 0 : i32
    return %arg0, %c0_i32 : i32, i32
  }
  func.func @transform_1(%arg0: i32) -> (i32, i32) {
    %c0_i32 = arith.constant 0 : i32
    %c0_i32_0 = arith.constant 0 : i32
    return %arg0, %c0_i32 : i32, i32
  }
}

module attributes {stable_mosaic.version = 14 : i64} {
  func.func @_slice_body(%arg0: i32, %arg1: memref<512x1024xf32, #tpu.memory_space<vmem>>, %arg2: memref<512x1024xf32, #tpu.memory_space<vmem>>, %arg3: memref<64x1024xf32, #tpu.memory_space<vmem>>) attributes {dimension_semantics = [#tpu.dimension_semantics<arbitrary>], iteration_bounds = array<i64: 8>, scalar_prefetch = 0 : i64, scratch_operands = 1 : i64, tpu.core_type = #tpu.core_type<tc>, window_params = [{transform_indices = @transform_0, window_bounds = array<i64: 512, 1024>}, {transform_indices = @transform_1, window_bounds = array<i64: 512, 1024>}]} {
    %eq3A = arith.constant 0 : i32
    %eq3A_0 = arith.cmpi eq, %arg0, %eq3A : i32
    %convert_element_type3A = arith.extui %eq3A_0 : i1 to i32
    %cond3A = arith.constant 0 : i32
    %cond3A_1 = arith.cmpi ne, %convert_element_type3A, %cond3A : i32
    scf.if %cond3A_1 {
      %iota3A_331 = tpu.iota {dimensions = array<i32: 0>} : vector<64x512xi32>
      %convert_element_type3A_332 = arith.sitofp %iota3A_331 : vector<64x512xi32> to vector<64x512xf32>
      %iota3A_333 = tpu.iota {dimensions = array<i32: 1>} : vector<64x512xi32>
      %convert_element_type3A_334 = arith.sitofp %iota3A_333 : vector<64x512xi32> to vector<64x512xf32>
      %mul3A_335 = arith.constant -0.0179889463 : f32
      %mul3A_336 = vector.broadcast %mul3A_335 : f32 to vector<64x512xf32>
      %mul3A_337 = arith.mulf %convert_element_type3A_334, %mul3A_336 : vector<64x512xf32>
      %exp3A_338 = math.exp %mul3A_337 : vector<64x512xf32>
      %mul3A_339 = arith.mulf %convert_element_type3A_332, %exp3A_338 : vector<64x512xf32>
      %sin3A_340 = math.sin %mul3A_339 : vector<64x512xf32>
      %swap3A_341 = arith.constant 0 : index
      %swap3A_342 = arith.constant 0 : index
      %swap3A_343 = vector.load %arg3[%swap3A_341, %swap3A_342] : memref<64x1024xf32, #tpu.memory_space<vmem>>, vector<64x512xf32>
      tpu.vector_store %arg3[%swap3A_341, %swap3A_342], %sin3A_340 {strides = array<i32>} : memref<64x1024xf32, #tpu.memory_space<vmem>>, vector<64x512xf32>,
      %cos3A_344 = math.cos %mul3A_339 : vector<64x512xf32>
      %swap3A_345 = arith.constant 0 : index
      %swap3A_346 = arith.constant 512 : index
      %swap3A_347 = vector.load %arg3[%swap3A_345, %swap3A_346] : memref<64x1024xf32, #tpu.memory_space<vmem>>, vector<64x512xf32>
      tpu.vector_store %arg3[%swap3A_345, %swap3A_346], %cos3A_344 {strides = array<i32>} : memref<64x1024xf32, #tpu.memory_space<vmem>>, vector<64x512xf32>,
    } else {
    }
    %get3A = arith.constant 0 : index
    %get3A_2 = arith.constant 0 : index
    %get3A_3 = vector.load %arg3[%get3A, %get3A_2] : memref<64x1024xf32, #tpu.memory_space<vmem>>, vector<64x512xf32>
    %get3A_4 = arith.constant 0 : index
    %get3A_5 = arith.constant 512 : index
    %get3A_6 = vector.load %arg3[%get3A_4, %get3A_5] : memref<64x1024xf32, #tpu.memory_space<vmem>>, vector<64x512xf32>
    %iota3A = tpu.iota {dimensions = array<i32: 0>} : vector<16x512xi32>
    %iota3A_7 = tpu.iota {dimensions = array<i32: 1>} : vector<16x512xi32>
    %convert_element_type3A_8 = arith.sitofp %iota3A_7 : vector<16x512xi32> to vector<16x512xf32>
    %mul3A = arith.constant -0.0179889463 : f32
    %mul3A_9 = vector.broadcast %mul3A : f32 to vector<16x512xf32>
    %mul3A_10 = arith.mulf %convert_element_type3A_8, %mul3A_9 : vector<16x512xf32>
    %exp3A = math.exp %mul3A_10 : vector<16x512xf32>
    %jit3A = arith.constant 8 : i32
    %eq3A_11 = arith.constant 0 : i32
    %eq3A_12 = arith.cmpi eq, %jit3A, %eq3A_11 : i32
    %jit3A_13 = arith.constant 1 : i32
    %select_n3A = arith.select %eq3A_12, %jit3A_13, %jit3A : i32
    %rem3A = vector.broadcast %select_n3A : i32 to vector<16x512xi32>
    %rem3A_14 = arith.remsi %iota3A, %rem3A : vector<16x512xi32>
    %ne3A = arith.constant 0 : i32
    %ne3A_15 = vector.broadcast %ne3A : i32 to vector<16x512xi32>
    %ne3A_16 = arith.cmpi ne, %rem3A_14, %ne3A_15 : vector<16x512xi32>
    %lt3A = arith.constant 0 : i32
    %lt3A_17 = vector.broadcast %lt3A : i32 to vector<16x512xi32>
    %lt3A_18 = arith.cmpi slt, %rem3A_14, %lt3A_17 : vector<16x512xi32>
    %lt3A_19 = arith.constant 0 : i32
    %lt3A_20 = arith.cmpi slt, %select_n3A, %lt3A_19 : i32
    %ne3A_21 = vector.broadcast %lt3A_20 : i1 to vector<16x512xi1>
    %ne3A_22 = vector.broadcast %ne3A_21 : vector<16x512xi1> to vector<16x512xi1>
    %ne3A_23 = arith.xori %lt3A_18, %ne3A_22 : vector<16x512xi1>
    %and3A = arith.andi %ne3A_23, %ne3A_16 : vector<16x512xi1>
    %add3A = vector.broadcast %select_n3A : i32 to vector<16x512xi32>
    %add3A_24 = arith.addi %rem3A_14, %add3A : vector<16x512xi32>
    %select_n3A_25 = arith.select %and3A, %add3A_24, %rem3A_14 : vector<16x512xi1>, vector<16x512xi32>
    %convert_element_type3A_26 = arith.sitofp %select_n3A_25 : vector<16x512xi32> to vector<16x512xf32>
    %lt3A_27 = arith.constant 8 : i32
    %lt3A_28 = vector.broadcast %lt3A_27 : i32 to vector<16x512xi32>
    %lt3A_29 = arith.cmpi slt, %iota3A, %lt3A_28 : vector<16x512xi32>
    %jit3A_30 = arith.constant 4.096000e+03 : f32
    %jit3A_31 = arith.constant 4.095000e+03 : f32
    %broadcast_in_dim3A = vector.broadcast %jit3A_30 : f32 to vector<16x512xf32>
    %broadcast_in_dim3A_32 = vector.broadcast %jit3A_31 : f32 to vector<16x512xf32>
    %select_n3A_33 = arith.select %lt3A_29, %broadcast_in_dim3A, %broadcast_in_dim3A_32 : vector<16x512xi1>, vector<16x512xf32>
    %mul3A_34 = arith.constant 512 : i32
    %mul3A_35 = arith.muli %arg0, %mul3A_34 : i32
    %add3A_36 = arith.constant 2048 : i32
    %add3A_37 = arith.addi %mul3A_35, %add3A_36 : i32
    %convert_element_type3A_38 = arith.sitofp %add3A_37 : i32 to f32
    %sub3A = vector.broadcast %convert_element_type3A_38 : f32 to vector<16x512xf32>
    %sub3A_39 = arith.subf %select_n3A_33, %sub3A : vector<16x512xf32>
    %mul3A_40 = arith.constant 6.400000e+01 : f32
    %mul3A_41 = vector.broadcast %mul3A_40 : f32 to vector<16x512xf32>
    %mul3A_42 = arith.mulf %mul3A_41, %convert_element_type3A_26 : vector<16x512xf32>
    %sub3A_43 = arith.subf %sub3A_39, %mul3A_42 : vector<16x512xf32>
    %mul3A_44 = arith.mulf %sub3A_43, %exp3A : vector<16x512xf32>
    %sin3A = math.sin %mul3A_44 : vector<16x512xf32>
    %cos3A = math.cos %mul3A_44 : vector<16x512xf32>
    %slice3A = vector.extract_strided_slice %sin3A {offsets = [0, 0], sizes = [1, 512], strides = [1, 1]} : vector<16x512xf32> to vector<1x512xf32>
    %slice3A_45 = vector.extract_strided_slice %cos3A {offsets = [0, 0], sizes = [1, 512], strides = [1, 1]} : vector<16x512xf32> to vector<1x512xf32>
    %mul3A_46 = vector.broadcast %slice3A : vector<1x512xf32> to vector<64x512xf32>
    %mul3A_47 = arith.mulf %mul3A_46, %get3A_6 : vector<64x512xf32>
    %mul3A_48 = vector.broadcast %slice3A_45 : vector<1x512xf32> to vector<64x512xf32>
    %mul3A_49 = arith.mulf %mul3A_48, %get3A_3 : vector<64x512xf32>
    %sub3A_50 = arith.subf %mul3A_47, %mul3A_49 : vector<64x512xf32>
    %swap3A = arith.constant 0 : index
    %swap3A_51 = arith.constant 0 : index
    %swap3A_52 = vector.load %arg1[%swap3A, %swap3A_51] : memref<512x1024xf32, #tpu.memory_space<vmem>>, vector<64x512xf32>
    tpu.vector_store %arg1[%swap3A, %swap3A_51], %sub3A_50 {strides = array<i32>} : memref<512x1024xf32, #tpu.memory_space<vmem>>, vector<64x512xf32>,
    %mul3A_53 = vector.broadcast %slice3A_45 : vector<1x512xf32> to vector<64x512xf32>
    %mul3A_54 = arith.mulf %mul3A_53, %get3A_6 : vector<64x512xf32>
    %mul3A_55 = vector.broadcast %slice3A : vector<1x512xf32> to vector<64x512xf32>
    %mul3A_56 = arith.mulf %mul3A_55, %get3A_3 : vector<64x512xf32>
    %add3A_57 = arith.addf %mul3A_54, %mul3A_56 : vector<64x512xf32>
    %swap3A_58 = arith.constant 0 : index
    %swap3A_59 = arith.constant 512 : index
    %swap3A_60 = vector.load %arg1[%swap3A_58, %swap3A_59] : memref<512x1024xf32, #tpu.memory_space<vmem>>, vector<64x512xf32>
    tpu.vector_store %arg1[%swap3A_58, %swap3A_59], %add3A_57 {strides = array<i32>} : memref<512x1024xf32, #tpu.memory_space<vmem>>, vector<64x512xf32>,
    %slice3A_61 = vector.extract_strided_slice %sin3A {offsets = [8, 0], sizes = [1, 512], strides = [1, 1]} : vector<16x512xf32> to vector<1x512xf32>
    %slice3A_62 = vector.extract_strided_slice %cos3A {offsets = [8, 0], sizes = [1, 512], strides = [1, 1]} : vector<16x512xf32> to vector<1x512xf32>
    %mul3A_63 = vector.broadcast %slice3A_61 : vector<1x512xf32> to vector<64x512xf32>
    %mul3A_64 = arith.mulf %mul3A_63, %get3A_6 : vector<64x512xf32>
    %mul3A_65 = vector.broadcast %slice3A_62 : vector<1x512xf32> to vector<64x512xf32>
    %mul3A_66 = arith.mulf %mul3A_65, %get3A_3 : vector<64x512xf32>
    %sub3A_67 = arith.subf %mul3A_64, %mul3A_66 : vector<64x512xf32>
    %swap3A_68 = arith.constant 0 : index
    %swap3A_69 = arith.constant 0 : index
    %swap3A_70 = vector.load %arg2[%swap3A_68, %swap3A_69] : memref<512x1024xf32, #tpu.memory_space<vmem>>, vector<64x512xf32>
    tpu.vector_store %arg2[%swap3A_68, %swap3A_69], %sub3A_67 {strides = array<i32>} : memref<512x1024xf32, #tpu.memory_space<vmem>>, vector<64x512xf32>,
    %mul3A_71 = vector.broadcast %slice3A_62 : vector<1x512xf32> to vector<64x512xf32>
    %mul3A_72 = arith.mulf %mul3A_71, %get3A_6 : vector<64x512xf32>
    %mul3A_73 = vector.broadcast %slice3A_61 : vector<1x512xf32> to vector<64x512xf32>
    %mul3A_74 = arith.mulf %mul3A_73, %get3A_3 : vector<64x512xf32>
    %add3A_75 = arith.addf %mul3A_72, %mul3A_74 : vector<64x512xf32>
    %swap3A_76 = arith.constant 0 : index
    %swap3A_77 = arith.constant 512 : index
    %swap3A_78 = vector.load %arg2[%swap3A_76, %swap3A_77] : memref<512x1024xf32, #tpu.memory_space<vmem>>, vector<64x512xf32>
    tpu.vector_store %arg2[%swap3A_76, %swap3A_77], %add3A_75 {strides = array<i32>} : memref<512x1024xf32, #tpu.memory_space<vmem>>, vector<64x512xf32>,
    %slice3A_79 = vector.extract_strided_slice %sin3A {offsets = [1, 0], sizes = [1, 512], strides = [1, 1]} : vector<16x512xf32> to vector<1x512xf32>
    %slice3A_80 = vector.extract_strided_slice %cos3A {offsets = [1, 0], sizes = [1, 512], strides = [1, 1]} : vector<16x512xf32> to vector<1x512xf32>
    %mul3A_81 = vector.broadcast %slice3A_79 : vector<1x512xf32> to vector<64x512xf32>
    %mul3A_82 = arith.mulf %mul3A_81, %get3A_6 : vector<64x512xf32>
    %mul3A_83 = vector.broadcast %slice3A_80 : vector<1x512xf32> to vector<64x512xf32>
    %mul3A_84 = arith.mulf %mul3A_83, %get3A_3 : vector<64x512xf32>
    %sub3A_85 = arith.subf %mul3A_82, %mul3A_84 : vector<64x512xf32>
    %swap3A_86 = arith.constant 64 : index
    %swap3A_87 = arith.constant 0 : index
    %swap3A_88 = vector.load %arg1[%swap3A_86, %swap3A_87] : memref<512x1024xf32, #tpu.memory_space<vmem>>, vector<64x512xf32>
    tpu.vector_store %arg1[%swap3A_86, %swap3A_87], %sub3A_85 {strides = array<i32>} : memref<512x1024xf32, #tpu.memory_space<vmem>>, vector<64x512xf32>,
    %mul3A_89 = vector.broadcast %slice3A_80 : vector<1x512xf32> to vector<64x512xf32>
    %mul3A_90 = arith.mulf %mul3A_89, %get3A_6 : vector<64x512xf32>
    %mul3A_91 = vector.broadcast %slice3A_79 : vector<1x512xf32> to vector<64x512xf32>
    %mul3A_92 = arith.mulf %mul3A_91, %get3A_3 : vector<64x512xf32>
    %add3A_93 = arith.addf %mul3A_90, %mul3A_92 : vector<64x512xf32>
    %swap3A_94 = arith.constant 64 : index
    %swap3A_95 = arith.constant 512 : index
    %swap3A_96 = vector.load %arg1[%swap3A_94, %swap3A_95] : memref<512x1024xf32, #tpu.memory_space<vmem>>, vector<64x512xf32>
    tpu.vector_store %arg1[%swap3A_94, %swap3A_95], %add3A_93 {strides = array<i32>} : memref<512x1024xf32, #tpu.memory_space<vmem>>, vector<64x512xf32>,
    %slice3A_97 = vector.extract_strided_slice %sin3A {offsets = [9, 0], sizes = [1, 512], strides = [1, 1]} : vector<16x512xf32> to vector<1x512xf32>
    %slice3A_98 = vector.extract_strided_slice %cos3A {offsets = [9, 0], sizes = [1, 512], strides = [1, 1]} : vector<16x512xf32> to vector<1x512xf32>
    %mul3A_99 = vector.broadcast %slice3A_97 : vector<1x512xf32> to vector<64x512xf32>
    %mul3A_100 = arith.mulf %mul3A_99, %get3A_6 : vector<64x512xf32>
    %mul3A_101 = vector.broadcast %slice3A_98 : vector<1x512xf32> to vector<64x512xf32>
    %mul3A_102 = arith.mulf %mul3A_101, %get3A_3 : vector<64x512xf32>
    %sub3A_103 = arith.subf %mul3A_100, %mul3A_102 : vector<64x512xf32>
    %swap3A_104 = arith.constant 64 : index
    %swap3A_105 = arith.constant 0 : index
    %swap3A_106 = vector.load %arg2[%swap3A_104, %swap3A_105] : memref<512x1024xf32, #tpu.memory_space<vmem>>, vector<64x512xf32>
    tpu.vector_store %arg2[%swap3A_104, %swap3A_105], %sub3A_103 {strides = array<i32>} : memref<512x1024xf32, #tpu.memory_space<vmem>>, vector<64x512xf32>,
    %mul3A_107 = vector.broadcast %slice3A_98 : vector<1x512xf32> to vector<64x512xf32>
    %mul3A_108 = arith.mulf %mul3A_107, %get3A_6 : vector<64x512xf32>
    %mul3A_109 = vector.broadcast %slice3A_97 : vector<1x512xf32> to vector<64x512xf32>
    %mul3A_110 = arith.mulf %mul3A_109, %get3A_3 : vector<64x512xf32>
    %add3A_111 = arith.addf %mul3A_108, %mul3A_110 : vector<64x512xf32>
    %swap3A_112 = arith.constant 64 : index
    %swap3A_113 = arith.constant 512 : index
    %swap3A_114 = vector.load %arg2[%swap3A_112, %swap3A_113] : memref<512x1024xf32, #tpu.memory_space<vmem>>, vector<64x512xf32>
    tpu.vector_store %arg2[%swap3A_112, %swap3A_113], %add3A_111 {strides = array<i32>} : memref<512x1024xf32, #tpu.memory_space<vmem>>, vector<64x512xf32>,
    %slice3A_115 = vector.extract_strided_slice %sin3A {offsets = [2, 0], sizes = [1, 512], strides = [1, 1]} : vector<16x512xf32> to vector<1x512xf32>
    %slice3A_116 = vector.extract_strided_slice %cos3A {offsets = [2, 0], sizes = [1, 512], strides = [1, 1]} : vector<16x512xf32> to vector<1x512xf32>
    %mul3A_117 = vector.broadcast %slice3A_115 : vector<1x512xf32> to vector<64x512xf32>
    %mul3A_118 = arith.mulf %mul3A_117, %get3A_6 : vector<64x512xf32>
    %mul3A_119 = vector.broadcast %slice3A_116 : vector<1x512xf32> to vector<64x512xf32>
    %mul3A_120 = arith.mulf %mul3A_119, %get3A_3 : vector<64x512xf32>
    %sub3A_121 = arith.subf %mul3A_118, %mul3A_120 : vector<64x512xf32>
    %swap3A_122 = arith.constant 128 : index
    %swap3A_123 = arith.constant 0 : index
    %swap3A_124 = vector.load %arg1[%swap3A_122, %swap3A_123] : memref<512x1024xf32, #tpu.memory_space<vmem>>, vector<64x512xf32>
    tpu.vector_store %arg1[%swap3A_122, %swap3A_123], %sub3A_121 {strides = array<i32>} : memref<512x1024xf32, #tpu.memory_space<vmem>>, vector<64x512xf32>,
    %mul3A_125 = vector.broadcast %slice3A_116 : vector<1x512xf32> to vector<64x512xf32>
    %mul3A_126 = arith.mulf %mul3A_125, %get3A_6 : vector<64x512xf32>
    %mul3A_127 = vector.broadcast %slice3A_115 : vector<1x512xf32> to vector<64x512xf32>
    %mul3A_128 = arith.mulf %mul3A_127, %get3A_3 : vector<64x512xf32>
    %add3A_129 = arith.addf %mul3A_126, %mul3A_128 : vector<64x512xf32>
    %swap3A_130 = arith.constant 128 : index
    %swap3A_131 = arith.constant 512 : index
    %swap3A_132 = vector.load %arg1[%swap3A_130, %swap3A_131] : memref<512x1024xf32, #tpu.memory_space<vmem>>, vector<64x512xf32>
    tpu.vector_store %arg1[%swap3A_130, %swap3A_131], %add3A_129 {strides = array<i32>} : memref<512x1024xf32, #tpu.memory_space<vmem>>, vector<64x512xf32>,
    %slice3A_133 = vector.extract_strided_slice %sin3A {offsets = [10, 0], sizes = [1, 512], strides = [1, 1]} : vector<16x512xf32> to vector<1x512xf32>
    %slice3A_134 = vector.extract_strided_slice %cos3A {offsets = [10, 0], sizes = [1, 512], strides = [1, 1]} : vector<16x512xf32> to vector<1x512xf32>
    %mul3A_135 = vector.broadcast %slice3A_133 : vector<1x512xf32> to vector<64x512xf32>
    %mul3A_136 = arith.mulf %mul3A_135, %get3A_6 : vector<64x512xf32>
    %mul3A_137 = vector.broadcast %slice3A_134 : vector<1x512xf32> to vector<64x512xf32>
    %mul3A_138 = arith.mulf %mul3A_137, %get3A_3 : vector<64x512xf32>
    %sub3A_139 = arith.subf %mul3A_136, %mul3A_138 : vector<64x512xf32>
    %swap3A_140 = arith.constant 128 : index
    %swap3A_141 = arith.constant 0 : index
    %swap3A_142 = vector.load %arg2[%swap3A_140, %swap3A_141] : memref<512x1024xf32, #tpu.memory_space<vmem>>, vector<64x512xf32>
    tpu.vector_store %arg2[%swap3A_140, %swap3A_141], %sub3A_139 {strides = array<i32>} : memref<512x1024xf32, #tpu.memory_space<vmem>>, vector<64x512xf32>,
    %mul3A_143 = vector.broadcast %slice3A_134 : vector<1x512xf32> to vector<64x512xf32>
    %mul3A_144 = arith.mulf %mul3A_143, %get3A_6 : vector<64x512xf32>
    %mul3A_145 = vector.broadcast %slice3A_133 : vector<1x512xf32> to vector<64x512xf32>
    %mul3A_146 = arith.mulf %mul3A_145, %get3A_3 : vector<64x512xf32>
    %add3A_147 = arith.addf %mul3A_144, %mul3A_146 : vector<64x512xf32>
    %swap3A_148 = arith.constant 128 : index
    %swap3A_149 = arith.constant 512 : index
    %swap3A_150 = vector.load %arg2[%swap3A_148, %swap3A_149] : memref<512x1024xf32, #tpu.memory_space<vmem>>, vector<64x512xf32>
    tpu.vector_store %arg2[%swap3A_148, %swap3A_149], %add3A_147 {strides = array<i32>} : memref<512x1024xf32, #tpu.memory_space<vmem>>, vector<64x512xf32>,
    %slice3A_151 = vector.extract_strided_slice %sin3A {offsets = [3, 0], sizes = [1, 512], strides = [1, 1]} : vector<16x512xf32> to vector<1x512xf32>
    %slice3A_152 = vector.extract_strided_slice %cos3A {offsets = [3, 0], sizes = [1, 512], strides = [1, 1]} : vector<16x512xf32> to vector<1x512xf32>
    %mul3A_153 = vector.broadcast %slice3A_151 : vector<1x512xf32> to vector<64x512xf32>
    %mul3A_154 = arith.mulf %mul3A_153, %get3A_6 : vector<64x512xf32>
    %mul3A_155 = vector.broadcast %slice3A_152 : vector<1x512xf32> to vector<64x512xf32>
    %mul3A_156 = arith.mulf %mul3A_155, %get3A_3 : vector<64x512xf32>
    %sub3A_157 = arith.subf %mul3A_154, %mul3A_156 : vector<64x512xf32>
    %swap3A_158 = arith.constant 192 : index
    %swap3A_159 = arith.constant 0 : index
    %swap3A_160 = vector.load %arg1[%swap3A_158, %swap3A_159] : memref<512x1024xf32, #tpu.memory_space<vmem>>, vector<64x512xf32>
    tpu.vector_store %arg1[%swap3A_158, %swap3A_159], %sub3A_157 {strides = array<i32>} : memref<512x1024xf32, #tpu.memory_space<vmem>>, vector<64x512xf32>,
    %mul3A_161 = vector.broadcast %slice3A_152 : vector<1x512xf32> to vector<64x512xf32>
    %mul3A_162 = arith.mulf %mul3A_161, %get3A_6 : vector<64x512xf32>
    %mul3A_163 = vector.broadcast %slice3A_151 : vector<1x512xf32> to vector<64x512xf32>
    %mul3A_164 = arith.mulf %mul3A_163, %get3A_3 : vector<64x512xf32>
    %add3A_165 = arith.addf %mul3A_162, %mul3A_164 : vector<64x512xf32>
    %swap3A_166 = arith.constant 192 : index
    %swap3A_167 = arith.constant 512 : index
    %swap3A_168 = vector.load %arg1[%swap3A_166, %swap3A_167] : memref<512x1024xf32, #tpu.memory_space<vmem>>, vector<64x512xf32>
    tpu.vector_store %arg1[%swap3A_166, %swap3A_167], %add3A_165 {strides = array<i32>} : memref<512x1024xf32, #tpu.memory_space<vmem>>, vector<64x512xf32>,
    %slice3A_169 = vector.extract_strided_slice %sin3A {offsets = [11, 0], sizes = [1, 512], strides = [1, 1]} : vector<16x512xf32> to vector<1x512xf32>
    %slice3A_170 = vector.extract_strided_slice %cos3A {offsets = [11, 0], sizes = [1, 512], strides = [1, 1]} : vector<16x512xf32> to vector<1x512xf32>
    %mul3A_171 = vector.broadcast %slice3A_169 : vector<1x512xf32> to vector<64x512xf32>
    %mul3A_172 = arith.mulf %mul3A_171, %get3A_6 : vector<64x512xf32>
    %mul3A_173 = vector.broadcast %slice3A_170 : vector<1x512xf32> to vector<64x512xf32>
    %mul3A_174 = arith.mulf %mul3A_173, %get3A_3 : vector<64x512xf32>
    %sub3A_175 = arith.subf %mul3A_172, %mul3A_174 : vector<64x512xf32>
    %swap3A_176 = arith.constant 192 : index
    %swap3A_177 = arith.constant 0 : index
    %swap3A_178 = vector.load %arg2[%swap3A_176, %swap3A_177] : memref<512x1024xf32, #tpu.memory_space<vmem>>, vector<64x512xf32>
    tpu.vector_store %arg2[%swap3A_176, %swap3A_177], %sub3A_175 {strides = array<i32>} : memref<512x1024xf32, #tpu.memory_space<vmem>>, vector<64x512xf32>,
    %mul3A_179 = vector.broadcast %slice3A_170 : vector<1x512xf32> to vector<64x512xf32>
    %mul3A_180 = arith.mulf %mul3A_179, %get3A_6 : vector<64x512xf32>
    %mul3A_181 = vector.broadcast %slice3A_169 : vector<1x512xf32> to vector<64x512xf32>
    %mul3A_182 = arith.mulf %mul3A_181, %get3A_3 : vector<64x512xf32>
    %add3A_183 = arith.addf %mul3A_180, %mul3A_182 : vector<64x512xf32>
    %swap3A_184 = arith.constant 192 : index
    %swap3A_185 = arith.constant 512 : index
    %swap3A_186 = vector.load %arg2[%swap3A_184, %swap3A_185] : memref<512x1024xf32, #tpu.memory_space<vmem>>, vector<64x512xf32>
    tpu.vector_store %arg2[%swap3A_184, %swap3A_185], %add3A_183 {strides = array<i32>} : memref<512x1024xf32, #tpu.memory_space<vmem>>, vector<64x512xf32>,
    %slice3A_187 = vector.extract_strided_slice %sin3A {offsets = [4, 0], sizes = [1, 512], strides = [1, 1]} : vector<16x512xf32> to vector<1x512xf32>
    %slice3A_188 = vector.extract_strided_slice %cos3A {offsets = [4, 0], sizes = [1, 512], strides = [1, 1]} : vector<16x512xf32> to vector<1x512xf32>
    %mul3A_189 = vector.broadcast %slice3A_187 : vector<1x512xf32> to vector<64x512xf32>
    %mul3A_190 = arith.mulf %mul3A_189, %get3A_6 : vector<64x512xf32>
    %mul3A_191 = vector.broadcast %slice3A_188 : vector<1x512xf32> to vector<64x512xf32>
    %mul3A_192 = arith.mulf %mul3A_191, %get3A_3 : vector<64x512xf32>
    %sub3A_193 = arith.subf %mul3A_190, %mul3A_192 : vector<64x512xf32>
    %swap3A_194 = arith.constant 256 : index
    %swap3A_195 = arith.constant 0 : index
    %swap3A_196 = vector.load %arg1[%swap3A_194, %swap3A_195] : memref<512x1024xf32, #tpu.memory_space<vmem>>, vector<64x512xf32>
    tpu.vector_store %arg1[%swap3A_194, %swap3A_195], %sub3A_193 {strides = array<i32>} : memref<512x1024xf32, #tpu.memory_space<vmem>>, vector<64x512xf32>,
    %mul3A_197 = vector.broadcast %slice3A_188 : vector<1x512xf32> to vector<64x512xf32>
    %mul3A_198 = arith.mulf %mul3A_197, %get3A_6 : vector<64x512xf32>
    %mul3A_199 = vector.broadcast %slice3A_187 : vector<1x512xf32> to vector<64x512xf32>
    %mul3A_200 = arith.mulf %mul3A_199, %get3A_3 : vector<64x512xf32>
    %add3A_201 = arith.addf %mul3A_198, %mul3A_200 : vector<64x512xf32>
    %swap3A_202 = arith.constant 256 : index
    %swap3A_203 = arith.constant 512 : index
    %swap3A_204 = vector.load %arg1[%swap3A_202, %swap3A_203] : memref<512x1024xf32, #tpu.memory_space<vmem>>, vector<64x512xf32>
    tpu.vector_store %arg1[%swap3A_202, %swap3A_203], %add3A_201 {strides = array<i32>} : memref<512x1024xf32, #tpu.memory_space<vmem>>, vector<64x512xf32>,
    %slice3A_205 = vector.extract_strided_slice %sin3A {offsets = [12, 0], sizes = [1, 512], strides = [1, 1]} : vector<16x512xf32> to vector<1x512xf32>
    %slice3A_206 = vector.extract_strided_slice %cos3A {offsets = [12, 0], sizes = [1, 512], strides = [1, 1]} : vector<16x512xf32> to vector<1x512xf32>
    %mul3A_207 = vector.broadcast %slice3A_205 : vector<1x512xf32> to vector<64x512xf32>
    %mul3A_208 = arith.mulf %mul3A_207, %get3A_6 : vector<64x512xf32>
    %mul3A_209 = vector.broadcast %slice3A_206 : vector<1x512xf32> to vector<64x512xf32>
    %mul3A_210 = arith.mulf %mul3A_209, %get3A_3 : vector<64x512xf32>
    %sub3A_211 = arith.subf %mul3A_208, %mul3A_210 : vector<64x512xf32>
    %swap3A_212 = arith.constant 256 : index
    %swap3A_213 = arith.constant 0 : index
    %swap3A_214 = vector.load %arg2[%swap3A_212, %swap3A_213] : memref<512x1024xf32, #tpu.memory_space<vmem>>, vector<64x512xf32>
    tpu.vector_store %arg2[%swap3A_212, %swap3A_213], %sub3A_211 {strides = array<i32>} : memref<512x1024xf32, #tpu.memory_space<vmem>>, vector<64x512xf32>,
    %mul3A_215 = vector.broadcast %slice3A_206 : vector<1x512xf32> to vector<64x512xf32>
    %mul3A_216 = arith.mulf %mul3A_215, %get3A_6 : vector<64x512xf32>
    %mul3A_217 = vector.broadcast %slice3A_205 : vector<1x512xf32> to vector<64x512xf32>
    %mul3A_218 = arith.mulf %mul3A_217, %get3A_3 : vector<64x512xf32>
    %add3A_219 = arith.addf %mul3A_216, %mul3A_218 : vector<64x512xf32>
    %swap3A_220 = arith.constant 256 : index
    %swap3A_221 = arith.constant 512 : index
    %swap3A_222 = vector.load %arg2[%swap3A_220, %swap3A_221] : memref<512x1024xf32, #tpu.memory_space<vmem>>, vector<64x512xf32>
    tpu.vector_store %arg2[%swap3A_220, %swap3A_221], %add3A_219 {strides = array<i32>} : memref<512x1024xf32, #tpu.memory_space<vmem>>, vector<64x512xf32>,
    %slice3A_223 = vector.extract_strided_slice %sin3A {offsets = [5, 0], sizes = [1, 512], strides = [1, 1]} : vector<16x512xf32> to vector<1x512xf32>
    %slice3A_224 = vector.extract_strided_slice %cos3A {offsets = [5, 0], sizes = [1, 512], strides = [1, 1]} : vector<16x512xf32> to vector<1x512xf32>
    %mul3A_225 = vector.broadcast %slice3A_223 : vector<1x512xf32> to vector<64x512xf32>
    %mul3A_226 = arith.mulf %mul3A_225, %get3A_6 : vector<64x512xf32>
    %mul3A_227 = vector.broadcast %slice3A_224 : vector<1x512xf32> to vector<64x512xf32>
    %mul3A_228 = arith.mulf %mul3A_227, %get3A_3 : vector<64x512xf32>
    %sub3A_229 = arith.subf %mul3A_226, %mul3A_228 : vector<64x512xf32>
    %swap3A_230 = arith.constant 320 : index
    %swap3A_231 = arith.constant 0 : index
    %swap3A_232 = vector.load %arg1[%swap3A_230, %swap3A_231] : memref<512x1024xf32, #tpu.memory_space<vmem>>, vector<64x512xf32>
    tpu.vector_store %arg1[%swap3A_230, %swap3A_231], %sub3A_229 {strides = array<i32>} : memref<512x1024xf32, #tpu.memory_space<vmem>>, vector<64x512xf32>,
    %mul3A_233 = vector.broadcast %slice3A_224 : vector<1x512xf32> to vector<64x512xf32>
    %mul3A_234 = arith.mulf %mul3A_233, %get3A_6 : vector<64x512xf32>
    %mul3A_235 = vector.broadcast %slice3A_223 : vector<1x512xf32> to vector<64x512xf32>
    %mul3A_236 = arith.mulf %mul3A_235, %get3A_3 : vector<64x512xf32>
    %add3A_237 = arith.addf %mul3A_234, %mul3A_236 : vector<64x512xf32>
    %swap3A_238 = arith.constant 320 : index
    %swap3A_239 = arith.constant 512 : index
    %swap3A_240 = vector.load %arg1[%swap3A_238, %swap3A_239] : memref<512x1024xf32, #tpu.memory_space<vmem>>, vector<64x512xf32>
    tpu.vector_store %arg1[%swap3A_238, %swap3A_239], %add3A_237 {strides = array<i32>} : memref<512x1024xf32, #tpu.memory_space<vmem>>, vector<64x512xf32>,
    %slice3A_241 = vector.extract_strided_slice %sin3A {offsets = [13, 0], sizes = [1, 512], strides = [1, 1]} : vector<16x512xf32> to vector<1x512xf32>
    %slice3A_242 = vector.extract_strided_slice %cos3A {offsets = [13, 0], sizes = [1, 512], strides = [1, 1]} : vector<16x512xf32> to vector<1x512xf32>
    %mul3A_243 = vector.broadcast %slice3A_241 : vector<1x512xf32> to vector<64x512xf32>
    %mul3A_244 = arith.mulf %mul3A_243, %get3A_6 : vector<64x512xf32>
    %mul3A_245 = vector.broadcast %slice3A_242 : vector<1x512xf32> to vector<64x512xf32>
    %mul3A_246 = arith.mulf %mul3A_245, %get3A_3 : vector<64x512xf32>
    %sub3A_247 = arith.subf %mul3A_244, %mul3A_246 : vector<64x512xf32>
    %swap3A_248 = arith.constant 320 : index
    %swap3A_249 = arith.constant 0 : index
    %swap3A_250 = vector.load %arg2[%swap3A_248, %swap3A_249] : memref<512x1024xf32, #tpu.memory_space<vmem>>, vector<64x512xf32>
    tpu.vector_store %arg2[%swap3A_248, %swap3A_249], %sub3A_247 {strides = array<i32>} : memref<512x1024xf32, #tpu.memory_space<vmem>>, vector<64x512xf32>,
    %mul3A_251 = vector.broadcast %slice3A_242 : vector<1x512xf32> to vector<64x512xf32>
    %mul3A_252 = arith.mulf %mul3A_251, %get3A_6 : vector<64x512xf32>
    %mul3A_253 = vector.broadcast %slice3A_241 : vector<1x512xf32> to vector<64x512xf32>
    %mul3A_254 = arith.mulf %mul3A_253, %get3A_3 : vector<64x512xf32>
    %add3A_255 = arith.addf %mul3A_252, %mul3A_254 : vector<64x512xf32>
    %swap3A_256 = arith.constant 320 : index
    %swap3A_257 = arith.constant 512 : index
    %swap3A_258 = vector.load %arg2[%swap3A_256, %swap3A_257] : memref<512x1024xf32, #tpu.memory_space<vmem>>, vector<64x512xf32>
    tpu.vector_store %arg2[%swap3A_256, %swap3A_257], %add3A_255 {strides = array<i32>} : memref<512x1024xf32, #tpu.memory_space<vmem>>, vector<64x512xf32>,
    %slice3A_259 = vector.extract_strided_slice %sin3A {offsets = [6, 0], sizes = [1, 512], strides = [1, 1]} : vector<16x512xf32> to vector<1x512xf32>
    %slice3A_260 = vector.extract_strided_slice %cos3A {offsets = [6, 0], sizes = [1, 512], strides = [1, 1]} : vector<16x512xf32> to vector<1x512xf32>
    %mul3A_261 = vector.broadcast %slice3A_259 : vector<1x512xf32> to vector<64x512xf32>
    %mul3A_262 = arith.mulf %mul3A_261, %get3A_6 : vector<64x512xf32>
    %mul3A_263 = vector.broadcast %slice3A_260 : vector<1x512xf32> to vector<64x512xf32>
    %mul3A_264 = arith.mulf %mul3A_263, %get3A_3 : vector<64x512xf32>
    %sub3A_265 = arith.subf %mul3A_262, %mul3A_264 : vector<64x512xf32>
    %swap3A_266 = arith.constant 384 : index
    %swap3A_267 = arith.constant 0 : index
    %swap3A_268 = vector.load %arg1[%swap3A_266, %swap3A_267] : memref<512x1024xf32, #tpu.memory_space<vmem>>, vector<64x512xf32>
    tpu.vector_store %arg1[%swap3A_266, %swap3A_267], %sub3A_265 {strides = array<i32>} : memref<512x1024xf32, #tpu.memory_space<vmem>>, vector<64x512xf32>,
    %mul3A_269 = vector.broadcast %slice3A_260 : vector<1x512xf32> to vector<64x512xf32>
    %mul3A_270 = arith.mulf %mul3A_269, %get3A_6 : vector<64x512xf32>
    %mul3A_271 = vector.broadcast %slice3A_259 : vector<1x512xf32> to vector<64x512xf32>
    %mul3A_272 = arith.mulf %mul3A_271, %get3A_3 : vector<64x512xf32>
    %add3A_273 = arith.addf %mul3A_270, %mul3A_272 : vector<64x512xf32>
    %swap3A_274 = arith.constant 384 : index
    %swap3A_275 = arith.constant 512 : index
    %swap3A_276 = vector.load %arg1[%swap3A_274, %swap3A_275] : memref<512x1024xf32, #tpu.memory_space<vmem>>, vector<64x512xf32>
    tpu.vector_store %arg1[%swap3A_274, %swap3A_275], %add3A_273 {strides = array<i32>} : memref<512x1024xf32, #tpu.memory_space<vmem>>, vector<64x512xf32>,
    %slice3A_277 = vector.extract_strided_slice %sin3A {offsets = [14, 0], sizes = [1, 512], strides = [1, 1]} : vector<16x512xf32> to vector<1x512xf32>
    %slice3A_278 = vector.extract_strided_slice %cos3A {offsets = [14, 0], sizes = [1, 512], strides = [1, 1]} : vector<16x512xf32> to vector<1x512xf32>
    %mul3A_279 = vector.broadcast %slice3A_277 : vector<1x512xf32> to vector<64x512xf32>
    %mul3A_280 = arith.mulf %mul3A_279, %get3A_6 : vector<64x512xf32>
    %mul3A_281 = vector.broadcast %slice3A_278 : vector<1x512xf32> to vector<64x512xf32>
    %mul3A_282 = arith.mulf %mul3A_281, %get3A_3 : vector<64x512xf32>
    %sub3A_283 = arith.subf %mul3A_280, %mul3A_282 : vector<64x512xf32>
    %swap3A_284 = arith.constant 384 : index
    %swap3A_285 = arith.constant 0 : index
    %swap3A_286 = vector.load %arg2[%swap3A_284, %swap3A_285] : memref<512x1024xf32, #tpu.memory_space<vmem>>, vector<64x512xf32>
    tpu.vector_store %arg2[%swap3A_284, %swap3A_285], %sub3A_283 {strides = array<i32>} : memref<512x1024xf32, #tpu.memory_space<vmem>>, vector<64x512xf32>,
    %mul3A_287 = vector.broadcast %slice3A_278 : vector<1x512xf32> to vector<64x512xf32>
    %mul3A_288 = arith.mulf %mul3A_287, %get3A_6 : vector<64x512xf32>
    %mul3A_289 = vector.broadcast %slice3A_277 : vector<1x512xf32> to vector<64x512xf32>
    %mul3A_290 = arith.mulf %mul3A_289, %get3A_3 : vector<64x512xf32>
    %add3A_291 = arith.addf %mul3A_288, %mul3A_290 : vector<64x512xf32>
    %swap3A_292 = arith.constant 384 : index
    %swap3A_293 = arith.constant 512 : index
    %swap3A_294 = vector.load %arg2[%swap3A_292, %swap3A_293] : memref<512x1024xf32, #tpu.memory_space<vmem>>, vector<64x512xf32>
    tpu.vector_store %arg2[%swap3A_292, %swap3A_293], %add3A_291 {strides = array<i32>} : memref<512x1024xf32, #tpu.memory_space<vmem>>, vector<64x512xf32>,
    %slice3A_295 = vector.extract_strided_slice %sin3A {offsets = [7, 0], sizes = [1, 512], strides = [1, 1]} : vector<16x512xf32> to vector<1x512xf32>
    %slice3A_296 = vector.extract_strided_slice %cos3A {offsets = [7, 0], sizes = [1, 512], strides = [1, 1]} : vector<16x512xf32> to vector<1x512xf32>
    %mul3A_297 = vector.broadcast %slice3A_295 : vector<1x512xf32> to vector<64x512xf32>
    %mul3A_298 = arith.mulf %mul3A_297, %get3A_6 : vector<64x512xf32>
    %mul3A_299 = vector.broadcast %slice3A_296 : vector<1x512xf32> to vector<64x512xf32>
    %mul3A_300 = arith.mulf %mul3A_299, %get3A_3 : vector<64x512xf32>
    %sub3A_301 = arith.subf %mul3A_298, %mul3A_300 : vector<64x512xf32>
    %swap3A_302 = arith.constant 448 : index
    %swap3A_303 = arith.constant 0 : index
    %swap3A_304 = vector.load %arg1[%swap3A_302, %swap3A_303] : memref<512x1024xf32, #tpu.memory_space<vmem>>, vector<64x512xf32>
    tpu.vector_store %arg1[%swap3A_302, %swap3A_303], %sub3A_301 {strides = array<i32>} : memref<512x1024xf32, #tpu.memory_space<vmem>>, vector<64x512xf32>,
    %mul3A_305 = vector.broadcast %slice3A_296 : vector<1x512xf32> to vector<64x512xf32>
    %mul3A_306 = arith.mulf %mul3A_305, %get3A_6 : vector<64x512xf32>
    %mul3A_307 = vector.broadcast %slice3A_295 : vector<1x512xf32> to vector<64x512xf32>
    %mul3A_308 = arith.mulf %mul3A_307, %get3A_3 : vector<64x512xf32>
    %add3A_309 = arith.addf %mul3A_306, %mul3A_308 : vector<64x512xf32>
    %swap3A_310 = arith.constant 448 : index
    %swap3A_311 = arith.constant 512 : index
    %swap3A_312 = vector.load %arg1[%swap3A_310, %swap3A_311] : memref<512x1024xf32, #tpu.memory_space<vmem>>, vector<64x512xf32>
    tpu.vector_store %arg1[%swap3A_310, %swap3A_311], %add3A_309 {strides = array<i32>} : memref<512x1024xf32, #tpu.memory_space<vmem>>, vector<64x512xf32>,
    %slice3A_313 = vector.extract_strided_slice %sin3A {offsets = [15, 0], sizes = [1, 512], strides = [1, 1]} : vector<16x512xf32> to vector<1x512xf32>
    %slice3A_314 = vector.extract_strided_slice %cos3A {offsets = [15, 0], sizes = [1, 512], strides = [1, 1]} : vector<16x512xf32> to vector<1x512xf32>
    %mul3A_315 = vector.broadcast %slice3A_313 : vector<1x512xf32> to vector<64x512xf32>
    %mul3A_316 = arith.mulf %mul3A_315, %get3A_6 : vector<64x512xf32>
    %mul3A_317 = vector.broadcast %slice3A_314 : vector<1x512xf32> to vector<64x512xf32>
    %mul3A_318 = arith.mulf %mul3A_317, %get3A_3 : vector<64x512xf32>
    %sub3A_319 = arith.subf %mul3A_316, %mul3A_318 : vector<64x512xf32>
    %swap3A_320 = arith.constant 448 : index
    %swap3A_321 = arith.constant 0 : index
    %swap3A_322 = vector.load %arg2[%swap3A_320, %swap3A_321] : memref<512x1024xf32, #tpu.memory_space<vmem>>, vector<64x512xf32>
    tpu.vector_store %arg2[%swap3A_320, %swap3A_321], %sub3A_319 {strides = array<i32>} : memref<512x1024xf32, #tpu.memory_space<vmem>>, vector<64x512xf32>,
    %mul3A_323 = vector.broadcast %slice3A_314 : vector<1x512xf32> to vector<64x512xf32>
    %mul3A_324 = arith.mulf %mul3A_323, %get3A_6 : vector<64x512xf32>
    %mul3A_325 = vector.broadcast %slice3A_313 : vector<1x512xf32> to vector<64x512xf32>
    %mul3A_326 = arith.mulf %mul3A_325, %get3A_3 : vector<64x512xf32>
    %add3A_327 = arith.addf %mul3A_324, %mul3A_326 : vector<64x512xf32>
    %swap3A_328 = arith.constant 448 : index
    %swap3A_329 = arith.constant 512 : index
    %swap3A_330 = vector.load %arg2[%swap3A_328, %swap3A_329] : memref<512x1024xf32, #tpu.memory_space<vmem>>, vector<64x512xf32>
    tpu.vector_store %arg2[%swap3A_328, %swap3A_329], %add3A_327 {strides = array<i32>} : memref<512x1024xf32, #tpu.memory_space<vmem>>, vector<64x512xf32>,
    return
  }
  func.func @transform_0(%arg0: i32) -> (i32, i32) {
    %c0_i32 = arith.constant 0 : i32
    %c0_i32_0 = arith.constant 0 : i32
    return %arg0, %c0_i32 : i32, i32
  }
  func.func @transform_1(%arg0: i32) -> (i32, i32) {
    %c0_i32 = arith.constant 0 : i32
    %c0_i32_0 = arith.constant 0 : i32
    return %arg0, %c0_i32 : i32, i32
  }
}

</mosaic_0001>

<sc_bundles>
// kernel: kernel.7.cloned.1.call-start
scs
__scs_entry_jumppad:
0x0: {  	(pc) =	sbr.rel $0x88, $3  }
0x1: {  	(tag) =	ssettag $0x0;
	lr =	simm.s32 $0x1  }
0x2: {  	[smem:$0x3FA0] =	sst lr;
	_ =	strace $0xD0000000  }
0x3: {  	_ = 	snop  }
0x4: {  	_ = 	snop  }
0x5: {  	_ = 	snop  }
0x6: {  	_ = 	snop  }
0x7: {  	_ = 	snop  }
__scs_overlays_trampoline_lowered:
0x8: {  	[smem:$0x3FAF] =	sst s0  }
0x9: {  	[smem:$0x3FB0] =	sst s1  }
0xa: {  	[smem:$0x3FB1] =	sst s2  }
0xb: {  	[smem:$0x3FB2] =	sst s3  }
0xc: {  	[smem:$0x3FB3] =	sst s4  }
0xd: {  	[smem:$0x3FB4] =	sst s5  }
0xe: {  	[smem:$0x3FB5] =	sst s6  }
0xf: {  	[smem:$0x3FB6] =	sst s7  }
0x10: {  	[smem:$0x3FB7] =	sst s8  }
0x11: {  	[smem:$0x3FB8] =	sst s9;
	s0 =	simm.s32 @!p0 $0x0  }
0x12: {  	s1 =	sld [smem:$0x3F9E];
	s0 =	simm.s32 @p0 $0x1  }
0x13: {  	[smem:$0x3FB9] =	sst s0;
	s0 =	simm.s32 @!p1 $0x0  }
0x14: {  	s2 =	sld [smem:$0x3F9D];
	s0 =	simm.s32 @p1 $0x1  }
0x15: {  	[smem:$0x3FBA] =	sst s0;
	s0 =	simm.s32 @!p2 $0x0  }
0x16: {  	s3 =	sld [smem:$0x3FDB];
	s0 =	simm.s32 @p2 $0x1  }
0x17: {  	s4 =	simm.s32 $0x1BF5;
	[smem:$0x3FBC] =	sst s0  }
0x18: {  	s0 =	sld [smem:$0x3F9F];
	_ =	swait.ge [sflag:s4], $0x0  }
0x19: {  	s7 =	sld [smem:$0x3FA0]  }
0x1a: {  	s8 =	sadd.s32 $0xFFFFE003, lr  }
0x1b: {  	s9 =	sadd.s32 $0xFFFFFEF7, lr;
	s5 =	simm.s32 $0xFFFFFFFF;
	p2 =	slt.u32 s8, $0xFFFFF086  }
0x1c: {  	p1 =	slt.u32 s9, $0xF7A;
	s5 =	simm.s32 @!p2 $0x0  }
0x1d: {  	s5 =	simm.s32 @p1 $0x1;
	p0 =	seq.s32 s7, s2  }
0x1e: {  	s7 =	smul.u32 @!p0 $0xF7A, s2;
	p2 =	seq.s32 @!p0 s5, $0x0  }
0x1f: {  	s9 =	smul.u32 $0xF7A, s1;
	s8 =	simm.s32 @!p0 $0x1BF5;
	p2 =	por !p2, p0  }
0x20: {  	[sflag:s8] =	ssyncset.s32 @!p0 $0xFFFFF086;
	s6 =	sadd.s32 @!p0 s3, s7;
	s7 =	simm.s32 @!p0 $0x108  }
0x21: {  	s3 =	sadd.s32 s3, s9;
	s6 =	sadd.s32 @!p0 $0x88, s6;
	s7 =	simm.s32 @p2 $0x1082  }
0x22: {  	[simem:s7], [sflag:s8] =	dma.local @!p0 [hbm:s6], $0xF7A  }
0x23: {  	s9 =	sor.u32 $0xD0000000, s2;
	s6 =	simm.s32 $0x108;
	_ =	swait.ge @!p0 [sflag:s8], $0x0  }
0x24: {  	s3 =	sadd.s32 $0x88, s3;
	s6 =	simm.s32 @!p1 $0x1082;
	[sflag:s4] =	ssyncset.s32 $0xFFFFF086  }
0x25: {  	[simem:s6], [sflag:s4] =	dma.local [hbm:s3], $0xF7A  }
0x26: {  	[smem:$0x3FA0] =	sst s1;
	(tag) =	ssettag s2;
	_ =	strace s9  }
0x27: {  	s1 =	sld [smem:$0x3FB0]  }
0x28: {  	s2 =	sld [smem:$0x3FB1]  }
0x29: {  	s4 =	sld [smem:$0x3FB3]  }
0x2a: {  	p0 =	seq.s32 s5, $0x0;
	s5 =	sld [smem:$0x3FB4]  }
0x2b: {  	s6 =	sld [smem:$0x3FB5]  }
0x2c: {  	s7 =	sld [smem:$0x3FB6]  }
0x2d: {  	s3 =	simm.s32 $0x108;
	s8 =	sld [smem:$0x3FB7]  }
0x2e: {  	s3 =	simm.s32 @!p0 $0x1082;
	s9 =	sld [smem:$0x3FB8]  }
0x2f: {  	lr =	sadd.s32 s0, s3;
	s0 =	sld [smem:$0x3FAF]  }
0x30: {  	s3 =	sld [smem:$0x3FB2]  }
0x31: {  	[smem:$0x3FBB] =	sst s10  }
0x32: {  	s10 =	sld [smem:$0x3FB9];
	_ =	sdelay $0x3  }
0x33: {  	p0 =	seq.s32 s10, $0x1;
	s10 =	sld [smem:$0x3FBB];
	_ =	sdelay $0x3  }
0x34: {  	[smem:$0x3FBB] =	sst s10  }
0x35: {  	s10 =	sld [smem:$0x3FBA];
	_ =	sdelay $0x3  }
0x36: {  	p1 =	seq.s32 s10, $0x1;
	s10 =	sld [smem:$0x3FBB];
	_ =	sdelay $0x3  }
0x37: {  	[smem:$0x3FBB] =	sst s10  }
0x38: {  	s10 =	sld [smem:$0x3FBC]  }
0x39: {  	_ = 	snop;
	(pc) =	sbr.ind lr, $3  }
0x3a: {  	_ = 	snop  }
0x3b: {  	_ = 	snop  }
0x3c: {  	p2 =	seq.s32 s10, $0x1;
	s10 =	sld [smem:$0x3FBB]  }
0x3d: {  	_ =	shalt  }
0x3e: {  	_ =	shalt  }
0x3f: {  	_ =	shalt  }
0x40: {  	_ =	shalt  }
0x41: {  	_ =	shalt  }
0x42: {  	_ =	shalt  }
0x43: {  	_ =	shalt  }
0x44: {  	_ =	shalt  }
0x45: {  	_ =	shalt  }
0x46: {  	_ =	shalt  }
0x47: {  	_ =	shalt  }
0x48: {  	_ =	shalt  }
0x49: {  	_ =	shalt  }
0x4a: {  	_ =	shalt  }
0x4b: {  	_ =	shalt  }
0x4c: {  	_ =	shalt  }
0x4d: {  	_ =	shalt  }
0x4e: {  	_ =	shalt  }
0x4f: {  	_ =	shalt  }
0x50: {  	_ =	shalt  }
0x51: {  	_ =	shalt  }
0x52: {  	_ =	shalt  }
0x53: {  	_ =	shalt  }
0x54: {  	_ =	shalt  }
0x55: {  	_ =	shalt  }
0x56: {  	_ =	shalt  }
0x57: {  	_ =	shalt  }
0x58: {  	_ =	shalt  }
0x59: {  	_ =	shalt  }
0x5a: {  	_ =	shalt  }
0x5b: {  	_ =	shalt  }
0x5c: {  	_ =	shalt  }
0x5d: {  	_ =	shalt  }
0x5e: {  	_ =	shalt  }
0x5f: {  	_ =	shalt  }
0x60: {  	_ =	shalt  }
0x61: {  	_ =	shalt  }
0x62: {  	_ =	shalt  }
0x63: {  	_ =	shalt  }
0x64: {  	_ =	shalt  }
0x65: {  	_ =	shalt  }
0x66: {  	_ =	shalt  }
0x67: {  	_ =	shalt  }
0x68: {  	_ =	shalt  }
0x69: {  	_ =	shalt  }
0x6a: {  	_ =	shalt  }
0x6b: {  	_ =	shalt  }
0x6c: {  	_ =	shalt  }
0x6d: {  	_ =	shalt  }
0x6e: {  	_ =	shalt  }
0x6f: {  	_ =	shalt  }
0x70: {  	_ =	shalt  }
0x71: {  	_ =	shalt  }
0x72: {  	_ =	shalt  }
0x73: {  	_ =	shalt  }
0x74: {  	_ =	shalt  }
0x75: {  	_ =	shalt  }
0x76: {  	_ =	shalt  }
0x77: {  	_ =	shalt  }
0x78: {  	_ =	shalt  }
0x79: {  	_ =	shalt  }
0x7a: {  	_ =	shalt  }
0x7b: {  	_ =	shalt  }
0x7c: {  	_ =	shalt  }
0x7d: {  	_ =	shalt  }
0x7e: {  	_ =	shalt  }
0x7f: {  	_ =	shalt  }
0x80: {  	_ =	shalt  }
0x81: {  	_ =	shalt  }
0x82: {  	_ =	shalt  }
0x83: {  	_ =	shalt  }
0x84: {  	_ =	shalt  }
0x85: {  	_ =	shalt  }
0x86: {  	_ =	shalt  }
0x87: {  	_ =	shalt  }
.Lfunc_end0:
.L_simem_size_0:
called_computation_lowered:
.L_overlay_start_0:
0x88: {  	s2 =	sld [smem:$0x3FD9]  }
0x89: {  	s3 =	sld [smem:$0x3FFE];
	_ =	sdelay $0x1  }
0x8a: {  	s1 =	srdreg.scid  }
0x8b: {  	s0 =	sand.u32 $0x1, s1  }
0x8c: {  	s14 =	sshll.u32 s0, $0xA;
	s2 =	sadd.s32 s3, s2  }
0x8d: {  	s2 =	sadd.s32 s2, s14  }
0x8e: {  	[smem:$0x3FC7] =	sst s2  }
0x8f: {  	_ = 	snop  }
0x90: {  	s2 =	sld [smem:$0x3FD0];
	_ =	sdelay $0x2  }
0x91: {  	s15 =	simm.s32 $0xA;
	s4 =	simm.s32 $0x10  }
0x92: {  	[smem:s4], [sflag:s15] =	dma.local [hbm:s2], $0x1  }
0x93: {  	_ =	swait.eq [sflag:s15], $0x1  }
0x94: {  	s16 =	sld [smem:$0x13]  }
0x95: {  	s17 =	sld [smem:$0x15];
	[sflag:s15] =	ssyncset.done $0x0  }
0x96: {  	s5 =	sld [smem:$0x16];
	[sflag:s15] =	ssyncadd.s32 $0xFFFFFFFF  }
0x97: {  	s18 =	sld [smem:$0x17];
	(tm) =	ssettm $0x1  }
0x98: {  	s6 =	sld [smem:$0x3FFB];
	_ =	sdelay $0x3  }
0x99: {  	_ =	strace s6  }
0x9a: {  	s6 =	sld [smem:$0x3FFC];
	_ =	sdelay $0x3  }
0x9b: {  	_ =	strace s6  }
0x9c: {  	s6 =	sld [smem:$0x3FFD];
	_ =	sdelay $0x3  }
0x9d: {  	_ =	strace s6  }
0x9e: {  	_ =	strace $0x8FFFFFFF  }
0x9f: {  	s19 =	sld [smem:$0x3FDB];
	_ =	sdelay $0x1  }
0xa0: {  	s7 =	simm.s32 $_scs_section_size  }
0xa1: {  	s8 =	simm.s32 $_size__tile_overlayer_lowered;
	s9 =	simm.s32 $_tile_overlayer_lowered  }
0xa2: {  	s22 =	simm.s32 $0x1BFF;
	s21 =	sshll.u32 s9, $0x1;
	s6 =	sadd.s32 s7, s19  }
0xa3: {  	s10 =	simm.s32 $0x0;
	s20 =	sshll.u32 s8, $0x1;
	s8 =	sadd.s32 s21, s6  }
0xa4: {  	[timem:s10], [sflag:s22] =	dma.local [hbm:s8], s20  }
0xa5: {  	_ =	swait.ge [sflag:s22], s20  }
0xa6: {  	s7 =	ssub.s32 $0x0, s20;
	[sflag:s22] =	ssyncset.done $0x0  }
0xa7: {  	[sflag:s22] =	ssyncadd.s32 s7;
	_ =	sdelay $0x1  }
0xa8: {  	s23 =	simm.s32 $0x1B8B  }
0xa9: {  	_ =	swait.ge [sflag:s23], $0x1  }
0xaa: {  	[sflag:s23] =	ssyncset.done $0x0  }
0xab: {  	s25 =	simm.s32 $0x1B8E;
	s24 =	sld [smem:$0x3FFE];
	[sflag:s23] =	ssyncadd.s32 $0xFFFFFFFF  }
0xac: {  	s26 =	simm.s32 $execute0_lowered;
	[smem:$0x3FD2] =	sst s25  }
0xad: {  	s8 =	sshll.u32 s26, $0x1;
	_ =	strace $0x80000046;
	[dreg:$0x1] =	wrdreg $0xFFFFFFFF  }
0xae: {  	s28 =	simm.s32 $_size_execute0_lowered;
	s6 =	sadd.s32 s6, s8;
	[dreg:$0x0] =	wrdreg $0x0  }
0xaf: {  	s8 =	sshll.u32 s28, $0x1;
	[dreg:$0x2] =	wrdreg s6  }
0xb0: {  	[dreg:$0x3] =	wrdreg s8  }
0xb1: {  	[dreg:$0x4] =	wrdreg $0xC0  }
0xb2: {  	_ =	task [dreg:s10], $0x5FFFF  }
0xb3: {  	[dreg:$0x1] =	wrdreg $0xFFFFFFFF  }
0xb4: {  	[dreg:$0x0] =	wrdreg $0x60  }
0xb5: {  	[dreg:$0x2] =	wrdreg s24  }
0xb6: {  	[dreg:$0x3] =	wrdreg s18  }
0xb7: {  	[dreg:$0x4] =	wrdreg s16  }
0xb8: {  	[dreg:$0x5] =	wrdreg s17  }
0xb9: {  	[dreg:$0x6] =	wrdreg s5  }
0xba: {  	[dreg:$0x7] =	wrdreg $0x9  }
0xbb: {  	_ =	task.clear_ibuf [dreg:s10], $0x8FFFF;
	_ =	strace $0x90000046  }
0xbc: {  	s29 =	simm.s32 $0x9;
	_ =	strace $0x80000048  }
0xbd: {  	_ =	swait.ge [sflag:s29], $0x1  }
0xbe: {  	[sflag:s29] =	ssyncadd.s32 $0xFFFFFFFF  }
0xbf: {  	_ =	strace $0x90000048  }
0xc0: {  	_ =	sfence  }
0xc1: {  	s30 =	sld [smem:$0x0];
	_ =	sdelay $0x2  }
0xc2: {  	s31 =	sshll.u32 s1, $0xD;
	s1 =	sshrl.u32 s1, $0x2  }
0xc3: {  	s3 =	sand.u32 $0x4000, s31;
	s1 =	sadd.s32 s1, s30  }
0xc4: {  	s0 =	sor.u32 s3, s0;
	s1 =	sshll.u32 s1, $0x11  }
0xc5: {  	s0 =	sor.u32 s1, s0  }
0xc6: {  	s0 =	sadd.s32 $0x8F2B, s0  }
0xc7: {  	[sflag:s0] =	ssyncadd.remote.s32 $0x1  }
0xc8: {  	_ =	sfence.sel $0xFFFF  }
0xc9: {  	[dreg:$0x0] =	wrdreg $0xFFFFFFFF;
	(pc) =	sbr.abs _section_cstart, $3  }
0xca: {  	[dreg:$0x1] =	wrdreg $0xFFFFFFFF  }
0xcb: {  	_ =	task.clear_ibuf [dreg:s10], $0x2FFFF;
	_ =	strace $0x9FFFFFFF  }
0xcc: {  	(tm) =	ssettm $0x7FFFFFFF  }
0xcd: {  	_ =	shalt  }
tec
execute0_lowered:
.L_overlay_start_1:
0x0: {  	(tag) =	ssettag $0x1  }
0x1: {  	s0 =	rddreg [dreg:$0x0]  }
0x2: {  	s4 =	rddreg [dreg:$0x1]  }
0x3: {  	s5 =	rddreg [dreg:$0x2]  }
0x4: {  	s6 =	rddreg [dreg:$0x3]  }
0x5: {  	s7 =	rddreg [dreg:$0x4];
	s2 =	simm.s32 $0x0  }
0x6: {  	s3 =	srdreg.scid;
	s1 =	stileid.u32;
	s20 =	simm.s32 $0x20  }
0x7: {  	s21 =	simm.s32 $0x30;
	s13 =	simm.s32 $0x1880;
	s14 =	simm.s32 $0x2080  }
0x8: {  	s22 =	simm.s32 $0xC880;
	s23 =	simm.s32 $0xD080;
	s24 =	simm.s32 $0xD880  }
0x9: {  	s25 =	simm.s32 $0xE080;
	s26 =	simm.s32 $0xE880;
	[smem:$0x7FF] =	sst s2  }
0xa: {  	s29 =	simm.s32 $0xF080;
	_ =	strace $0x80000047;
	[dreg:$0xb] =	wrdreg s20  }
0xb: {  	s28 =	simm.s32 $0xC080;
	s30 =	simm.s32 $0x2;
	[dreg:$0xc] =	wrdreg s21  }
0xc: {  	s31 =	simm.s32 $0x3;
	s8 =	sand.u32 $0x1, s3;
	[dreg:$0xd] =	wrdreg s22  }
0xd: {  	s15 =	sshll.u32 s1, $0x1;
	s3 =	sadd.s32 $0x1200, s0;
	[dreg:$0xe] =	wrdreg s23  }
0xe: {  	s9 =	sor.u32 s8, s15;
	s8 =	ssub.s32 $0x2, s8;
	[dreg:$0xf] =	wrdreg s24  }
0xf: {  	s15 =	simm.s32 $0x2880;
	s20 =	simm.s32 $0x5080;
	[dreg:$0x10] =	wrdreg s25  }
0x10: {  	s21 =	simm.s32 $0x5880;
	s22 =	simm.s32 $0x6080;
	[dreg:$0x11] =	wrdreg s26  }
0x11: {  	s23 =	simm.s32 $0x6880;
	s24 =	simm.s32 $0x7080;
	[dreg:$0x12] =	wrdreg s29  }
0x12: {  	s25 =	simm.s32 $0x7880;
	s26 =	simm.s32 $0x1;
	s10 =	sshll.u32 s9, $0x1  }
0x13: {  	s11 =	sshrl.u32 s8, $0x1;
	s12 =	sshll.u32 s9, $0x2;
	s17 =	sshll.u32 s9, $0xC  }
0x14: {  	s9 =	sshll.u32 s9, $0xB;
	s10 =	sadd.s32 s10, s4;
	s8 =	ssub.s32 s8, s11  }
0x15: {  	s4 =	sadd.s32 s4, s12;
	s18 =	sadd.s32 s5, s17;
	s5 =	sadd.s32 $0x1300, s0  }
0x16: {  	s9 =	sadd.s32 s6, s9;
	s6 =	sadd.s32 $0x1400, s0;
	s19 =	sadd.s32 s7, s17  }
0x17: {  	s7 =	sadd.s32 $0x1500, s0;
	s11 =	simm.s32 $0x880;
	s12 =	simm.s32 $0x1080  }
0x18: {  	s17 =	simm.s32 $0x3880;
	s0 =	simm.s32 $0x4;
	[dreg:$0x8] =	wrdreg s18  }
0x19: {  	s10 =	sadd.s32 $0x80, s10;
	s16 =	sadd.s32 $0xC0, s4;
	[dreg:$0x9] =	wrdreg s9  }
0x1a: {  	v2 =	vlaneseq.u32;
	[dreg:$0xa] =	wrdreg s19;
	s8 =	smax.u32 s8, $0x1;
	s9 =	simm.s32 $0x5  }
0x1b: {  	vm0 =	vmmov $0xffff;
	v1 =	vshrl.u32 v2, $0x3;
	s18 =	simm.s32 $0x4080;
	s19 =	simm.s32 $0x4880;
	[dreg:$0x6] =	wrdreg s10  }
0x1c: {  	v0 =	vand.u32 $0x7, v2;
	v2 =	vor.u32 $0x8, v2;
	v1 =	vmul.u32 $0x8, v1;
	[dreg:$0x7] =	wrdreg s16;
	s10 =	simm.s32 $0x80;
	s16 =	simm.s32 $0x3080  }
.LBB2_1:
0x1d: {  	[tilespmem:s2], [sflag:$0x5] =	stream.linear.gather [hbm4b:s4+s2], $0x20, $0x38;
	[tilespmem:$0x18080] =	vst v63  }
0x1e: {  	_ =	swait.ge [sflag:s9], $0x20  }
0x1f: {  	s1 =	rddreg [dreg:$0x6];
	[sflag:s9] =	ssyncset.done $0x0  }
0x20: {  	s29 =	rddreg [dreg:$0xb];
	[sflag:s9] =	ssyncadd.s32 $0xFFFFFFE0  }
0x21: {  	[tilespmem:s29], [sflag:$0x5] =	stream.linear.gather [hbm4b:s1+s2], $0x10, $0x38;
	[tilespmem:$0x18080] =	vst v63  }
0x22: {  	_ =	swait.ge [sflag:s9], $0x10  }
0x23: {  	s1 =	rddreg [dreg:$0x7];
	[sflag:s9] =	ssyncset.done $0x0  }
0x24: {  	s29 =	rddreg [dreg:$0xc];
	[sflag:s9] =	ssyncadd.s32 $0xFFFFFFF0  }
0x25: {  	[tilespmem:s29], [sflag:$0x5] =	stream.linear.gather [hbm4b:s1+s2], $0x20, $0x38;
	[tilespmem:$0x18080] =	vst v63  }
0x26: {  	_ =	swait.ge [sflag:s9], $0x20  }
0x27: {  	[sflag:s9] =	ssyncset.done $0x0  }
0x28: {  	[sflag:s9] =	ssyncadd.s32 $0xFFFFFFE0  }
0x29: {  	v3 =	vld [tilespmem:$0x0];
	_ =	sdelay $0x4  }
0x2a: {  	v4 =	vshll.u32 v3, $0x3  }
0x2b: {  	v3 =	vand.u32 $0x7, v3;
	v4 =	vand.u32 $0xFFFFFFC0, v4  }
0x2c: {  	v3 =	vor.u32 v3, v4  }
0x2d: {  	v4 =	vperm.xlane v3, v0;
	_ =	sdelay $0x1  }
0x2e: {  	v4 =	vadd.s32 v1, v4;
	_ =	sdelay $0x4  }
0x2f: {  	[tilespmem:s10], [sflag:$0x1] =	stream.indirect_vreg.gather [hbm4b:s3+s2], $0x80, v4, vm0, $0xb8;
	[tilespmem:$0x18080] =	vst v63  }
0x30: {  	v3 =	vperm.xlane v3, v2  }
0x31: {  	[tilespmem:s11], [sflag:$0x1] =	stream.indirect_vreg.gather [hbm4b:s5+s2], $0x80, v4, vm0, $0xb8;
	[tilespmem:$0x18080] =	vst v63  }
0x32: {  	v3 =	vadd.s32 v1, v3  }
0x33: {  	[tilespmem:s12], [sflag:$0x1] =	stream.indirect_vreg.gather [hbm4b:s6+s2], $0x80, v4, vm0, $0xb8;
	[tilespmem:$0x18080] =	vst v63  }
0x34: {  	_ = 	snop  }
0x35: {  	[tilespmem:s13], [sflag:$0x1] =	stream.indirect_vreg.gather [hbm4b:s7+s2], $0x80, v4, vm0, $0xb8;
	[tilespmem:$0x18080] =	vst v63  }
0x36: {  	_ = 	snop  }
0x37: {  	[tilespmem:s14], [sflag:$0x1] =	stream.indirect_vreg.gather [hbm4b:s3+s2], $0x80, v3, vm0, $0xb8;
	[tilespmem:$0x18080] =	vst v63  }
0x38: {  	_ = 	snop  }
0x39: {  	[tilespmem:s15], [sflag:$0x1] =	stream.indirect_vreg.gather [hbm4b:s5+s2], $0x80, v3, vm0, $0xb8;
	[tilespmem:$0x18080] =	vst v63  }
0x3a: {  	_ = 	snop  }
0x3b: {  	[tilespmem:s16], [sflag:$0x1] =	stream.indirect_vreg.gather [hbm4b:s6+s2], $0x80, v3, vm0, $0xb8;
	[tilespmem:$0x18080] =	vst v63  }
0x3c: {  	_ = 	snop  }
0x3d: {  	[tilespmem:s17], [sflag:$0x1] =	stream.indirect_vreg.gather [hbm4b:s7+s2], $0x80, v3, vm0, $0xb8;
	[tilespmem:$0x18080] =	vst v63  }
0x3e: {  	v3 =	vld [tilespmem:$0x10];
	_ =	sdelay $0x4  }
0x3f: {  	v60 =	vshll.u32 v3, $0x3  }
0x40: {  	v3 =	vand.u32 $0x7, v3;
	v4 =	vand.u32 $0xFFFFFFC0, v60  }
0x41: {  	v3 =	vor.u32 v3, v4  }
0x42: {  	v4 =	vperm.xlane v3, v0;
	_ =	sdelay $0x1  }
0x43: {  	v4 =	vadd.s32 v1, v4;
	_ =	sdelay $0x4  }
0x44: {  	[tilespmem:s18], [sflag:$0x1] =	stream.indirect_vreg.gather [hbm4b:s3+s2], $0x80, v4, vm0, $0xb8;
	[tilespmem:$0x18080] =	vst v63  }
0x45: {  	v3 =	vperm.xlane v3, v2  }
0x46: {  	[tilespmem:s19], [sflag:$0x1] =	stream.indirect_vreg.gather [hbm4b:s5+s2], $0x80, v4, vm0, $0xb8;
	[tilespmem:$0x18080] =	vst v63  }
0x47: {  	v3 =	vadd.s32 v1, v3  }
0x48: {  	[tilespmem:s20], [sflag:$0x1] =	stream.indirect_vreg.gather [hbm4b:s6+s2], $0x80, v4, vm0, $0xb8;
	[tilespmem:$0x18080] =	vst v63  }
0x49: {  	_ = 	snop  }
0x4a: {  	[tilespmem:s21], [sflag:$0x1] =	stream.indirect_vreg.gather [hbm4b:s7+s2], $0x80, v4, vm0, $0xb8;
	[tilespmem:$0x18080] =	vst v63  }
0x4b: {  	_ = 	snop  }
0x4c: {  	[tilespmem:s22], [sflag:$0x1] =	stream.indirect_vreg.gather [hbm4b:s3+s2], $0x80, v3, vm0, $0xb8;
	[tilespmem:$0x18080] =	vst v63  }
0x4d: {  	_ = 	snop  }
0x4e: {  	[tilespmem:s23], [sflag:$0x1] =	stream.indirect_vreg.gather [hbm4b:s5+s2], $0x80, v3, vm0, $0xb8;
	[tilespmem:$0x18080] =	vst v63  }
0x4f: {  	_ = 	snop  }
0x50: {  	[tilespmem:s24], [sflag:$0x1] =	stream.indirect_vreg.gather [hbm4b:s6+s2], $0x80, v3, vm0, $0xb8;
	[tilespmem:$0x18080] =	vst v63  }
0x51: {  	_ = 	snop  }
0x52: {  	[tilespmem:s25], [sflag:$0x1] =	stream.indirect_vreg.gather [hbm4b:s7+s2], $0x80, v3, vm0, $0xb8;
	[tilespmem:$0x18080] =	vst v63  }
0x53: {  	_ =	swait.ge [sflag:s26], $0x8000  }
0x54: {  	[sflag:s26] =	ssyncset.done $0x0  }
0x55: {  	s29 =	rddreg [dreg:$0x8];
	[sflag:s26] =	ssyncadd.s32 $0xFFFF8000  }
0x56: {  	[hbm4b:s29+s2] =	stream.linear.scatter [tilespmem:s10], [sflag:$0x3], $0x8000, $0x38;
	[tilespmem:$0x18080] =	vst v63  }
0x57: {  	v3 =	vld [tilespmem:$0x20];
	_ =	sdelay $0x4  }
0x58: {  	v61 =	vshll.u32 v3, $0x3  }
0x59: {  	v3 =	vand.u32 $0x7, v3;
	v4 =	vand.u32 $0xFFFFFFC0, v61  }
0x5a: {  	v3 =	vor.u32 v3, v4  }
0x5b: {  	v4 =	vperm.xlane v3, v0;
	_ =	sdelay $0x1  }
0x5c: {  	v4 =	vadd.s32 v1, v4;
	_ =	sdelay $0x4  }
0x5d: {  	[tilespmem:s28], [sflag:$0x2] =	stream.indirect_vreg.gather [hbm4b:s3+s2], $0x80, v4, vm0, $0xb8;
	[tilespmem:$0x18080] =	vst v63  }
0x5e: {  	s1 =	rddreg [dreg:$0xd];
	v3 =	vperm.xlane v3, v2  }
0x5f: {  	[tilespmem:s1], [sflag:$0x2] =	stream.indirect_vreg.gather [hbm4b:s5+s2], $0x80, v4, vm0, $0xb8;
	[tilespmem:$0x18080] =	vst v63  }
0x60: {  	s29 =	rddreg [dreg:$0xe];
	v3 =	vadd.s32 v1, v3  }
0x61: {  	[tilespmem:s29], [sflag:$0x2] =	stream.indirect_vreg.gather [hbm4b:s6+s2], $0x80, v4, vm0, $0xb8;
	[tilespmem:$0x18080] =	vst v63  }
0x62: {  	s1 =	rddreg [dreg:$0xf]  }
0x63: {  	[tilespmem:s1], [sflag:$0x2] =	stream.indirect_vreg.gather [hbm4b:s7+s2], $0x80, v4, vm0, $0xb8;
	[tilespmem:$0x18080] =	vst v63  }
0x64: {  	s29 =	rddreg [dreg:$0x10]  }
0x65: {  	[tilespmem:s29], [sflag:$0x2] =	stream.indirect_vreg.gather [hbm4b:s3+s2], $0x80, v3, vm0, $0xb8;
	[tilespmem:$0x18080] =	vst v63  }
0x66: {  	s1 =	rddreg [dreg:$0x11]  }
0x67: {  	[tilespmem:s1], [sflag:$0x2] =	stream.indirect_vreg.gather [hbm4b:s5+s2], $0x80, v3, vm0, $0xb8;
	[tilespmem:$0x18080] =	vst v63  }
0x68: {  	s29 =	rddreg [dreg:$0x12]  }
0x69: {  	[tilespmem:s29], [sflag:$0x2] =	stream.indirect_vreg.gather [hbm4b:s6+s2], $0x80, v3, vm0, $0xb8;
	[tilespmem:$0x18080] =	vst v63  }
0x6a: {  	s29 =	simm.s32 $0xF880  }
0x6b: {  	[tilespmem:s29], [sflag:$0x2] =	stream.indirect_vreg.gather [hbm4b:s7+s2], $0x80, v3, vm0, $0xb8;
	[tilespmem:$0x18080] =	vst v63  }
0x6c: {  	_ =	swait.ge [sflag:s30], $0x4000  }
0x6d: {  	[sflag:s30] =	ssyncset.done $0x0  }
0x6e: {  	s29 =	rddreg [dreg:$0x9];
	[sflag:s30] =	ssyncadd.s32 $0xFFFFC000  }
0x6f: {  	[hbm4b:s29+s2] =	stream.linear.scatter [tilespmem:s28], [sflag:$0x4], $0x4000, $0x38;
	[tilespmem:$0x18080] =	vst v63  }
0x70: {  	_ =	swait.ge [sflag:s31], $0x8000  }
0x71: {  	[sflag:s31] =	ssyncset.done $0x0  }
0x72: {  	[sflag:s31] =	ssyncadd.s32 $0xFFFF8000  }
0x73: {  	v3 =	vld [tilespmem:$0x30];
	_ =	sdelay $0x4  }
0x74: {  	v62 =	vshll.u32 v3, $0x3  }
0x75: {  	v3 =	vand.u32 $0x7, v3;
	v4 =	vand.u32 $0xFFFFFFC0, v62  }
0x76: {  	v3 =	vor.u32 v3, v4  }
0x77: {  	v4 =	vperm.xlane v3, v0;
	_ =	sdelay $0x1  }
0x78: {  	v4 =	vadd.s32 v1, v4;
	_ =	sdelay $0x4  }
0x79: {  	[tilespmem:s10], [sflag:$0x1] =	stream.indirect_vreg.gather [hbm4b:s3+s2], $0x80, v4, vm0, $0xb8;
	[tilespmem:$0x18080] =	vst v63  }
0x7a: {  	v3 =	vperm.xlane v3, v2  }
0x7b: {  	[tilespmem:s11], [sflag:$0x1] =	stream.indirect_vreg.gather [hbm4b:s5+s2], $0x80, v4, vm0, $0xb8;
	[tilespmem:$0x18080] =	vst v63  }
0x7c: {  	v3 =	vadd.s32 v1, v3  }
0x7d: {  	[tilespmem:s12], [sflag:$0x1] =	stream.indirect_vreg.gather [hbm4b:s6+s2], $0x80, v4, vm0, $0xb8;
	[tilespmem:$0x18080] =	vst v63  }
0x7e: {  	_ = 	snop  }
0x7f: {  	[tilespmem:s13], [sflag:$0x1] =	stream.indirect_vreg.gather [hbm4b:s7+s2], $0x80, v4, vm0, $0xb8;
	[tilespmem:$0x18080] =	vst v63  }
0x80: {  	_ = 	snop  }
0x81: {  	[tilespmem:s14], [sflag:$0x1] =	stream.indirect_vreg.gather [hbm4b:s3+s2], $0x80, v3, vm0, $0xb8;
	[tilespmem:$0x18080] =	vst v63  }
0x82: {  	_ = 	snop  }
0x83: {  	[tilespmem:s15], [sflag:$0x1] =	stream.indirect_vreg.gather [hbm4b:s5+s2], $0x80, v3, vm0, $0xb8;
	[tilespmem:$0x18080] =	vst v63  }
0x84: {  	_ = 	snop  }
0x85: {  	[tilespmem:s16], [sflag:$0x1] =	stream.indirect_vreg.gather [hbm4b:s6+s2], $0x80, v3, vm0, $0xb8;
	[tilespmem:$0x18080] =	vst v63  }
0x86: {  	_ = 	snop  }
0x87: {  	[tilespmem:s17], [sflag:$0x1] =	stream.indirect_vreg.gather [hbm4b:s7+s2], $0x80, v3, vm0, $0xb8;
	[tilespmem:$0x18080] =	vst v63  }
0x88: {  	v3 =	vld [tilespmem:$0x40];
	_ =	sdelay $0x4  }
0x89: {  	v63 =	vshll.u32 v3, $0x3  }
0x8a: {  	v3 =	vand.u32 $0x7, v3;
	v4 =	vand.u32 $0xFFFFFFC0, v63  }
0x8b: {  	v3 =	vor.u32 v3, v4  }
0x8c: {  	v4 =	vperm.xlane v3, v0;
	_ =	sdelay $0x1  }
0x8d: {  	v4 =	vadd.s32 v1, v4;
	_ =	sdelay $0x4  }
0x8e: {  	[tilespmem:s18], [sflag:$0x1] =	stream.indirect_vreg.gather [hbm4b:s3+s2], $0x80, v4, vm0, $0xb8;
	[tilespmem:$0x18080] =	vst v63  }
0x8f: {  	v3 =	vperm.xlane v3, v2  }
0x90: {  	[tilespmem:s19], [sflag:$0x1] =	stream.indirect_vreg.gather [hbm4b:s5+s2], $0x80, v4, vm0, $0xb8;
	[tilespmem:$0x18080] =	vst v63  }
0x91: {  	v3 =	vadd.s32 v1, v3  }
0x92: {  	[tilespmem:s20], [sflag:$0x1] =	stream.indirect_vreg.gather [hbm4b:s6+s2], $0x80, v4, vm0, $0xb8;
	[tilespmem:$0x18080] =	vst v63  }
0x93: {  	_ = 	snop  }
0x94: {  	[tilespmem:s21], [sflag:$0x1] =	stream.indirect_vreg.gather [hbm4b:s7+s2], $0x80, v4, vm0, $0xb8;
	[tilespmem:$0x18080] =	vst v63  }
0x95: {  	_ = 	snop  }
0x96: {  	[tilespmem:s22], [sflag:$0x1] =	stream.indirect_vreg.gather [hbm4b:s3+s2], $0x80, v3, vm0, $0xb8;
	[tilespmem:$0x18080] =	vst v63  }
0x97: {  	_ = 	snop  }
0x98: {  	[tilespmem:s23], [sflag:$0x1] =	stream.indirect_vreg.gather [hbm4b:s5+s2], $0x80, v3, vm0, $0xb8;
	[tilespmem:$0x18080] =	vst v63  }
0x99: {  	_ = 	snop  }
0x9a: {  	[tilespmem:s24], [sflag:$0x1] =	stream.indirect_vreg.gather [hbm4b:s6+s2], $0x80, v3, vm0, $0xb8;
	[tilespmem:$0x18080] =	vst v63  }
0x9b: {  	_ = 	snop  }
0x9c: {  	[tilespmem:s25], [sflag:$0x1] =	stream.indirect_vreg.gather [hbm4b:s7+s2], $0x80, v3, vm0, $0xb8;
	[tilespmem:$0x18080] =	vst v63  }
0x9d: {  	_ =	swait.ge [sflag:s26], $0x8000  }
0x9e: {  	[sflag:s26] =	ssyncset.done $0x0  }
0x9f: {  	s29 =	rddreg [dreg:$0xa];
	[sflag:s26] =	ssyncadd.s32 $0xFFFF8000  }
0xa0: {  	[hbm4b:s29+s2] =	stream.linear.scatter [tilespmem:s10], [sflag:$0x3], $0x8000, $0x38;
	[tilespmem:$0x18080] =	vst v63  }
0xa1: {  	p0 =	sne.s32 s8, $0x1;
	_ =	swait.ge [sflag:s31], $0x8000  }
.Ltmp0:
0xa2: {  	[sflag:s31] =	ssyncset.done $0x0;
	(pc) =	sbr.rel @p0 .LBB2_1-.Ltmp0, $4  }
0xa3: {  	[sflag:s31] =	ssyncadd.s32 $0xFFFF8000  }
0xa4: {  	_ =	swait.ge [sflag:s0], $0x4000  }
0xa5: {  	[sflag:s0] =	ssyncset.done $0x0  }
0xa6: {  	s8 =	sadd.s32 $0xFFFFFFFF, s8;
	[sflag:s0] =	ssyncadd.s32 $0xFFFFC000  }
0xa7: {  	_ =	sfence.sel $0x180000  }
0xa8: {  	[bflag:$0x0] =	sbarrier.arrive $0xFFFF  }
0xa9: {  	_ =	strace $0x90000047  }
0xaa: {  	s0 =	stileid.u32;
	[bflag:$0x2] =	sbarrier.arrive $0xFFFF  }
0xab: {  	p0 =	sne.s32 s0, $0x0;
	s0 =	rddreg [dreg:$0x5]  }
0xac: {  	s0 =	sadd.s32 @!p0 $0x100000, s0  }
0xad: {  	[sflag:s0] =	ssyncadd.tile.s32 @!p0 $0x1;
	_ =	shalt  }
.Lfunc_end2:
_tile_overlayer_lowered:
.L_overlay_start_2:
0xae: {  	(tag) =	ssettag $0x2  }
0xaf: {  	s0 =	rddreg [dreg:$0x0];
	s2 =	stileid.u32  }
0xb0: {  	s1 =	rddreg [dreg:$0x1];
	p0 =	sne.s32 s2, $0x0  }
0xb1: {  	s3 =	rddreg [dreg:$0x2];
	[bflag:$0x3] =	sbarrier.arrive $0xFFFF;
	s2 =	simm.s32 @!p0 $0x1C05  }
0xb2: {  	[timem:s3], [sflag:s2] =	dma.local @!p0 [hbm:s0], s1  }
0xb3: {  	s0 =	simm.s32 @!p0 $0x5  }
0xb4: {  	_ =	swait.ge @!p0 [sflag:s0], s1  }
0xb5: {  	s1 =	ssub.s32 @!p0 $0x0, s1;
	[sflag:s0] =	ssyncset.done @!p0 $0x0  }
0xb6: {  	[sflag:s0] =	ssyncadd.s32 @!p0 s1  }
0xb7: {  	[bflag:$0x3] =	sbarrier.arrive $0xFFFF  }
0xb8: {  	_ =	shalt  }

</sc_bundles>
